<compile_context>
chip_gen: v7x
topology: tpu7x:2x2x1
jax: 0.10.2.dev20260603
libtpu: 0.0.44.dev20260713+nightly
codegen_flags: <defaults>
</compile_context>

<pallas_src>
import functools

import jax
import jax.numpy as jnp
from jax import lax
from jax.experimental import pallas as pl
from jax.experimental.pallas import tpu as pltpu
from jax.experimental.pallas import tpu_sc as plsc

NC = 2
NS = 16
NW = NC * NS
CHUNK = 128
F0 = 112
F1 = 48


def _bn_mm_body(x_ref, w_ref, g_ref, bt_ref, y_ref):
    x = x_ref[...]
    mean = jnp.mean(x, axis=0, keepdims=True)
    xc = x - mean
    var = jnp.mean(xc * xc, axis=0, keepdims=True)
    h = xc * lax.rsqrt(var + 1e-5) * g_ref[...] + bt_ref[...]
    h = jnp.maximum(h, 0.0)
    y_ref[...] = jnp.dot(h, w_ref[...], preferred_element_type=jnp.float32)


def _combine_body(x_ref, b_ref, p0_ref, p1_ref, o_ref):
    o_ref[...] = x_ref[...] + b_ref[...] + p0_ref[...] + p1_ref[...]


def _make_scatter(n_acc, d, plane):
    rows_per = n_acc // NS
    h0 = F0 // 2
    h1 = F1 // 2
    mesh = plsc.VectorSubcoreMesh(core_axis_name="c", subcore_axis_name="s")

    @functools.partial(
        pl.kernel,
        out_type=jax.ShapeDtypeStruct((NC, n_acc, d), jnp.float32),
        mesh=mesh,
        scratch_types=[
            pltpu.VMEM_SHARED((n_acc, d), jnp.float32),
            pltpu.VMEM((h0 + 8, CHUNK), jnp.int32),
            pltpu.VMEM((h0, CHUNK), jnp.int32),
            pltpu.VMEM((CHUNK, d), jnp.float32),
            pltpu.VMEM((CHUNK, d), jnp.float32),
            pltpu.SemaphoreType.DMA,
            pltpu.SemaphoreType.DMA,
        ],
    )
    def scatter(y_hbm, src_hbm, dst_hbm, z_hbm, out_hbm,
                acc, sidx, didx, rows0, rows1, sem0, sem1):
        c = lax.axis_index("c")
        s = lax.axis_index("s")
        wid = c * NS + s
        hcp = jnp.where(c == 0, h0, h1)
        pltpu.sync_copy(z_hbm.at[pl.ds(s * rows_per, rows_per)],
                        acc.at[pl.ds(s * rows_per, rows_per)])
        plsc.subcore_barrier()

        for h in range(2):
            off = pl.multiple_of(h * hcp, 8)
            pltpu.sync_copy(src_hbm.at[wid].at[pl.ds(off, h0 + 8)], sidx)
            pltpu.sync_copy(dst_hbm.at[wid].at[pl.ds(off, h0)], didx)
            pltpu.async_copy(y_hbm.at[sidx.at[0]], rows0, sem0)

            def body(i, carry):
                k0 = 2 * i
                k1 = k0 + 1
                pltpu.async_copy(y_hbm.at[sidx.at[k1]], rows1, sem1)
                pltpu.make_async_copy(y_hbm.at[sidx.at[k0]], rows0, sem0).wait()
                pltpu.sync_copy(rows0, acc.at[didx.at[k0]], add=True)
                pltpu.async_copy(y_hbm.at[sidx.at[k0 + 2]], rows0, sem0)
                pltpu.make_async_copy(y_hbm.at[sidx.at[k1]], rows1, sem1).wait()
                pltpu.sync_copy(rows1, acc.at[didx.at[k1]], add=True)
                return carry

            lax.fori_loop(0, hcp // 2, body, 0)
            pltpu.make_async_copy(y_hbm.at[sidx.at[hcp]], rows0, sem0).wait()
        plsc.subcore_barrier()
        pltpu.sync_copy(acc.at[pl.ds(s * rows_per, rows_per)],
                        out_hbm.at[c].at[pl.ds(s * rows_per, rows_per)])

    return scatter


def kernel(x, edge_index, W, b, gamma, beta):
    n, d = x.shape
    e = edge_index.shape[1]

    y = pl.pallas_call(
        _bn_mm_body,
        out_shape=jax.ShapeDtypeStruct((n, d), jnp.float32),
    )(x, W, gamma.reshape(1, d), beta.reshape(1, d))

    n_acc = -(-(n + 1) // (NS * 8)) * (NS * 8)
    tot = (F0 + F1) * NS
    e_pad = tot * CHUNK
    src = edge_index[0].astype(jnp.int32)
    dst = edge_index[1].astype(jnp.int32)
    pad = e_pad - e
    src_c = jnp.concatenate([src, jnp.zeros((pad,), jnp.int32)]).reshape(tot, CHUNK)
    dst_c = jnp.concatenate([dst, jnp.full((pad,), n_acc - 1, jnp.int32)]).reshape(tot, CHUNK)
    plane = F0 + 8
    split = F0 * NS

    def _planes(flat, fill, c1_off=0):
        c0 = flat[:split].reshape(NS, F0, CHUNK)
        c1 = flat[split:].reshape(NS, F1, CHUNK) + c1_off
        pad0 = jnp.full((NS, plane - F0, CHUNK), fill, jnp.int32)
        pad1 = jnp.full((NS, plane - F1, CHUNK), fill, jnp.int32)
        return jnp.concatenate([
            jnp.concatenate([c0, pad0], axis=1),
            jnp.concatenate([c1, pad1], axis=1)], axis=0)

    src_r = _planes(src_c, 0, c1_off=n)
    dst_r = _planes(dst_c, n_acc - 1)
    z = jnp.zeros((n_acc, d), jnp.float32)
    y_rep = jnp.concatenate([y, y], axis=0)
    p = _make_scatter(n_acc, d, plane)(y_rep, src_r, dst_r, z)[:, :n, :]

    out = pl.pallas_call(
        _combine_body,
        out_shape=jax.ShapeDtypeStruct((n, d), jnp.float32),
    )(x, b.reshape(1, d), p[0], p[1])
    return out

# --- scband reference (transcript-rebuilt; emitter-appended) ---
"""Pipeline reference for scband-deep-gcnlayer-41609643164451 (READ-ONLY COPY).

The authoritative reference and input builder live on the scoring server;
editing this copy changes nothing except your own understanding.
"""

import jax, jax.numpy as jnp
import numpy as np

N_NODES = 10000
N_EDGES = 320000
D = 128


def setup_inputs(seed: int = 0) -> dict:
    key = jax.random.key(seed)
    k1, k2, k3, k4, k5, k6 = jax.random.split(key, 6)
    x = jax.random.normal(k1, (N_NODES, D), dtype=jnp.float32)
    edge_index = jax.random.randint(k2, (2, N_EDGES), 0, N_NODES, dtype=jnp.int64)
    # learned params: GCN conv linear weight/bias + batchnorm affine gamma/beta
    W = jax.random.normal(k3, (D, D), dtype=jnp.float32) * (1.0 / np.sqrt(D))
    b = jnp.zeros((D,), dtype=jnp.float32)
    gamma = jnp.ones((D,), dtype=jnp.float32)
    beta = jnp.zeros((D,), dtype=jnp.float32)
    return {"x": x, "edge_index": edge_index, "W": W, "b": b, "gamma": gamma, "beta": beta}


def reference(x, edge_index, W, b, gamma, beta):
    # DeepGCNLayer with connection='res+':
    #   h = norm(x); h = act(h); h = dropout(h, p=0.0); h = conv(graph, h); return x + h
    # BatchNorm1d (training-mode batch statistics over nodes)
    mean = jnp.mean(x, axis=0)
    var = jnp.var(x, axis=0)
    h = (x - mean) / jnp.sqrt(var + 1e-5) * gamma + beta
    # activation
    h = jax.nn.relu(h)
    # dropout p=0.0 -> identity
    # GCN-style conv: gather messages from src, scatter-add to dst, then linear
    src = edge_index[0]
    dst = edge_index[1]
    msgs = jnp.take(h, src, axis=0)
    agg = jax.ops.segment_sum(msgs, dst, num_segments=x.shape[0])
    h = agg @ W + b
    # residual
    return x + h

if __name__ == "__main__":
    import jax
    _d = setup_inputs()
    print(jax.jit(kernel)(*tuple(_d.values())))

</pallas_src>

<mosaic_0001>
#map = affine_map<(d0, d1) -> (0, 0)>
#map1 = affine_map<(d0, d1) -> (0, 0, 0)>
module attributes {stable_mosaic.version = 14 : i64} {
  func.func @scatter(%arg0: i32, %arg1: i32, %arg2: memref<20000x128xf32, #tpu.memory_space<hbm>>, %arg3: memref<32x120x128xi32, #tpu.memory_space<hbm>>, %arg4: memref<32x120x128xi32, #tpu.memory_space<hbm>>, %arg5: memref<10112x128xf32, #tpu.memory_space<hbm>>, %arg6: memref<2x10112x128xf32, #tpu.memory_space<hbm>>, %arg7: memref<10112x128xf32, #tpu.memory_space<vmem_shared>>, %arg8: memref<64x128xi32, #tpu.memory_space<vmem>>, %arg9: memref<56x128xi32, #tpu.memory_space<vmem>>, %arg10: memref<128x128xf32, #tpu.memory_space<vmem>>, %arg11: memref<128x128xf32, #tpu.memory_space<vmem>>, %arg12: memref<!tpu.dma_semaphore, #tpu.memory_space<semaphore_mem>>, %arg13: memref<!tpu.dma_semaphore, #tpu.memory_space<semaphore_mem>>) attributes {dimension_semantics = [#tpu.dimension_semantics<core_parallel>, #tpu.dimension_semantics<subcore_parallel>], iteration_bounds = array<i64: 2, 16>, scalar_prefetch = 0 : i64, scratch_operands = 7 : i64, tpu.core_type = #tpu.core_type<sc_vector_subcore>, window_params = [{transform_indices = #map}, {transform_indices = #map1}, {transform_indices = #map1}, {transform_indices = #map}, {transform_indices = #map1}]} {
    %mul3A = arith.constant 16 : i32
    %mul3A_0 = arith.muli %arg0, %mul3A : i32
    %add3A = arith.addi %mul3A_0, %arg1 : i32
    %eq3A = arith.constant 0 : i32
    %eq3A_1 = arith.cmpi eq, %arg0, %eq3A : i32
    %jit3A = arith.constant 56 : i32
    %jit3A_2 = arith.constant 24 : i32
    %select_n3A = arith.select %eq3A_1, %jit3A, %jit3A_2 : i32
    %mul3A_3 = arith.constant 632 : i32
    %mul3A_4 = arith.muli %arg1, %mul3A_3 : i32
    %mul3A_5 = arith.constant 632 : i32
    %mul3A_6 = arith.muli %arg1, %mul3A_5 : i32
    "tpu.region"() ({
      %run_scoped3A = tpu.sem_alloc : memref<!tpu.dma_semaphore, #tpu.memory_space<semaphore_mem>>
      %dma_start3A_102 = arith.constant 0 : i32
      %dma_start3A_103 = tpu.memref_slice %arg7[%mul3A_6, %dma_start3A_102] : memref<10112x128xf32, #tpu.memory_space<vmem_shared>> -> memref<632x128xf32, #tpu.memory_space<vmem_shared>>
      %dma_start3A_104 = arith.constant 0 : i32
      %dma_start3A_105 = tpu.memref_slice %arg5[%mul3A_4, %dma_start3A_104] : memref<10112x128xf32, #tpu.memory_space<hbm>> -> memref<632x128xf32, #tpu.memory_space<hbm>>
      tpu.enqueue_dma source(%dma_start3A_105 : memref<632x128xf32, #tpu.memory_space<hbm>>) target(%dma_start3A_103 : memref<632x128xf32, #tpu.memory_space<vmem_shared>>) target_semaphore(%run_scoped3A : memref<!tpu.dma_semaphore, #tpu.memory_space<semaphore_mem>>)
      %dma_wait3A_106 = arith.constant 0 : i32
      %dma_wait3A_107 = tpu.memref_slice %arg7[%mul3A_6, %dma_wait3A_106] : memref<10112x128xf32, #tpu.memory_space<vmem_shared>> -> memref<632x128xf32, #tpu.memory_space<vmem_shared>>
      %dma_wait3A_108 = arith.constant 0 : i32
      %dma_wait3A_109 = tpu.memref_slice %arg5[%mul3A_4, %dma_wait3A_108] : memref<10112x128xf32, #tpu.memory_space<hbm>> -> memref<632x128xf32, #tpu.memory_space<hbm>>
      tpu.wait_dma2 semaphore(%run_scoped3A : memref<!tpu.dma_semaphore, #tpu.memory_space<semaphore_mem>>) src(%dma_wait3A_109 : memref<632x128xf32, #tpu.memory_space<hbm>>) dst(%dma_wait3A_107 : memref<632x128xf32, #tpu.memory_space<vmem_shared>>)
      tpu.yield
    }) : () -> ()
    %barrier3A = arith.constant 0 : index
    tpu.barrier barrier_id(%barrier3A)
    %mul3A_7 = arith.constant 0 : i32
    %mul3A_8 = arith.muli %mul3A_7, %select_n3A : i32
    %multiple_of3A = tpu.assume_multiple %mul3A_8, 8 : i32
    "tpu.region"() ({
      %run_scoped3A = tpu.sem_alloc : memref<!tpu.dma_semaphore, #tpu.memory_space<semaphore_mem>>
      %dma_start3A_102 = arith.constant 0 : i32
      %dma_start3A_103 = arith.constant 0 : i32
      %dma_start3A_104 = tpu.memref_slice %arg3[%add3A, %dma_start3A_102, %dma_start3A_103] : memref<32x120x128xi32, #tpu.memory_space<hbm>> -> memref<1x120x128xi32, #tpu.memory_space<hbm>>
      %dma_start3A_105 = tpu.memref_squeeze %dma_start3A_104 : memref<1x120x128xi32, #tpu.memory_space<hbm>> -> memref<120x128xi32, #tpu.memory_space<hbm>>
      %dma_start3A_106 = arith.constant 0 : i32
      %dma_start3A_107 = tpu.memref_slice %dma_start3A_105[%multiple_of3A, %dma_start3A_106] : memref<120x128xi32, #tpu.memory_space<hbm>> -> memref<64x128xi32, #tpu.memory_space<hbm>>
      %dma_start3A_108 = arith.constant 0 : i32
      %dma_start3A_109 = arith.constant 0 : i32
      %dma_start3A_110 = tpu.memref_slice %arg3[%add3A, %dma_start3A_108, %dma_start3A_109] : memref<32x120x128xi32, #tpu.memory_space<hbm>> -> memref<1x120x128xi32, #tpu.memory_space<hbm>>
      %dma_start3A_111 = tpu.memref_squeeze %dma_start3A_110 : memref<1x120x128xi32, #tpu.memory_space<hbm>> -> memref<120x128xi32, #tpu.memory_space<hbm>>
      %dma_start3A_112 = arith.constant 0 : i32
      %dma_start3A_113 = tpu.memref_slice %dma_start3A_111[%multiple_of3A, %dma_start3A_112] : memref<120x128xi32, #tpu.memory_space<hbm>> -> memref<64x128xi32, #tpu.memory_space<hbm>>
      tpu.enqueue_dma source(%dma_start3A_113 : memref<64x128xi32, #tpu.memory_space<hbm>>) target(%arg8 : memref<64x128xi32, #tpu.memory_space<vmem>>) target_semaphore(%run_scoped3A : memref<!tpu.dma_semaphore, #tpu.memory_space<semaphore_mem>>)
      %dma_wait3A_114 = arith.constant 0 : i32
      %dma_wait3A_115 = arith.constant 0 : i32
      %dma_wait3A_116 = tpu.memref_slice %arg3[%add3A, %dma_wait3A_114, %dma_wait3A_115] : memref<32x120x128xi32, #tpu.memory_space<hbm>> -> memref<1x120x128xi32, #tpu.memory_space<hbm>>
      %dma_wait3A_117 = tpu.memref_squeeze %dma_wait3A_116 : memref<1x120x128xi32, #tpu.memory_space<hbm>> -> memref<120x128xi32, #tpu.memory_space<hbm>>
      %dma_wait3A_118 = arith.constant 0 : i32
      %dma_wait3A_119 = tpu.memref_slice %dma_wait3A_117[%multiple_of3A, %dma_wait3A_118] : memref<120x128xi32, #tpu.memory_space<hbm>> -> memref<64x128xi32, #tpu.memory_space<hbm>>
      %dma_wait3A_120 = arith.constant 0 : i32
      %dma_wait3A_121 = arith.constant 0 : i32
      %dma_wait3A_122 = tpu.memref_slice %arg3[%add3A, %dma_wait3A_120, %dma_wait3A_121] : memref<32x120x128xi32, #tpu.memory_space<hbm>> -> memref<1x120x128xi32, #tpu.memory_space<hbm>>
      %dma_wait3A_123 = tpu.memref_squeeze %dma_wait3A_122 : memref<1x120x128xi32, #tpu.memory_space<hbm>> -> memref<120x128xi32, #tpu.memory_space<hbm>>
      %dma_wait3A_124 = arith.constant 0 : i32
      %dma_wait3A_125 = tpu.memref_slice %dma_wait3A_123[%multiple_of3A, %dma_wait3A_124] : memref<120x128xi32, #tpu.memory_space<hbm>> -> memref<64x128xi32, #tpu.memory_space<hbm>>
      tpu.wait_dma2 semaphore(%run_scoped3A : memref<!tpu.dma_semaphore, #tpu.memory_space<semaphore_mem>>) src(%dma_wait3A_125 : memref<64x128xi32, #tpu.memory_space<hbm>>) dst(%arg8 : memref<64x128xi32, #tpu.memory_space<vmem>>)
      tpu.yield
    }) : () -> ()
    "tpu.region"() ({
      %run_scoped3A = tpu.sem_alloc : memref<!tpu.dma_semaphore, #tpu.memory_space<semaphore_mem>>
      %dma_start3A_102 = arith.constant 0 : i32
      %dma_start3A_103 = arith.constant 0 : i32
      %dma_start3A_104 = tpu.memref_slice %arg4[%add3A, %dma_start3A_102, %dma_start3A_103] : memref<32x120x128xi32, #tpu.memory_space<hbm>> -> memref<1x120x128xi32, #tpu.memory_space<hbm>>
      %dma_start3A_105 = tpu.memref_squeeze %dma_start3A_104 : memref<1x120x128xi32, #tpu.memory_space<hbm>> -> memref<120x128xi32, #tpu.memory_space<hbm>>
      %dma_start3A_106 = arith.constant 0 : i32
      %dma_start3A_107 = tpu.memref_slice %dma_start3A_105[%multiple_of3A, %dma_start3A_106] : memref<120x128xi32, #tpu.memory_space<hbm>> -> memref<56x128xi32, #tpu.memory_space<hbm>>
      %dma_start3A_108 = arith.constant 0 : i32
      %dma_start3A_109 = arith.constant 0 : i32
      %dma_start3A_110 = tpu.memref_slice %arg4[%add3A, %dma_start3A_108, %dma_start3A_109] : memref<32x120x128xi32, #tpu.memory_space<hbm>> -> memref<1x120x128xi32, #tpu.memory_space<hbm>>
      %dma_start3A_111 = tpu.memref_squeeze %dma_start3A_110 : memref<1x120x128xi32, #tpu.memory_space<hbm>> -> memref<120x128xi32, #tpu.memory_space<hbm>>
      %dma_start3A_112 = arith.constant 0 : i32
      %dma_start3A_113 = tpu.memref_slice %dma_start3A_111[%multiple_of3A, %dma_start3A_112] : memref<120x128xi32, #tpu.memory_space<hbm>> -> memref<56x128xi32, #tpu.memory_space<hbm>>
      tpu.enqueue_dma source(%dma_start3A_113 : memref<56x128xi32, #tpu.memory_space<hbm>>) target(%arg9 : memref<56x128xi32, #tpu.memory_space<vmem>>) target_semaphore(%run_scoped3A : memref<!tpu.dma_semaphore, #tpu.memory_space<semaphore_mem>>)
      %dma_wait3A_114 = arith.constant 0 : i32
      %dma_wait3A_115 = arith.constant 0 : i32
      %dma_wait3A_116 = tpu.memref_slice %arg4[%add3A, %dma_wait3A_114, %dma_wait3A_115] : memref<32x120x128xi32, #tpu.memory_space<hbm>> -> memref<1x120x128xi32, #tpu.memory_space<hbm>>
      %dma_wait3A_117 = tpu.memref_squeeze %dma_wait3A_116 : memref<1x120x128xi32, #tpu.memory_space<hbm>> -> memref<120x128xi32, #tpu.memory_space<hbm>>
      %dma_wait3A_118 = arith.constant 0 : i32
      %dma_wait3A_119 = tpu.memref_slice %dma_wait3A_117[%multiple_of3A, %dma_wait3A_118] : memref<120x128xi32, #tpu.memory_space<hbm>> -> memref<56x128xi32, #tpu.memory_space<hbm>>
      %dma_wait3A_120 = arith.constant 0 : i32
      %dma_wait3A_121 = arith.constant 0 : i32
      %dma_wait3A_122 = tpu.memref_slice %arg4[%add3A, %dma_wait3A_120, %dma_wait3A_121] : memref<32x120x128xi32, #tpu.memory_space<hbm>> -> memref<1x120x128xi32, #tpu.memory_space<hbm>>
      %dma_wait3A_123 = tpu.memref_squeeze %dma_wait3A_122 : memref<1x120x128xi32, #tpu.memory_space<hbm>> -> memref<120x128xi32, #tpu.memory_space<hbm>>
      %dma_wait3A_124 = arith.constant 0 : i32
      %dma_wait3A_125 = tpu.memref_slice %dma_wait3A_123[%multiple_of3A, %dma_wait3A_124] : memref<120x128xi32, #tpu.memory_space<hbm>> -> memref<56x128xi32, #tpu.memory_space<hbm>>
      tpu.wait_dma2 semaphore(%run_scoped3A : memref<!tpu.dma_semaphore, #tpu.memory_space<semaphore_mem>>) src(%dma_wait3A_125 : memref<56x128xi32, #tpu.memory_space<hbm>>) dst(%arg9 : memref<56x128xi32, #tpu.memory_space<vmem>>)
      tpu.yield
    }) : () -> ()
    %dma_start3A = arith.constant 0 : i32
    %dma_start3A_9 = arith.constant 0 : i32
    %dma_start3A_10 = tpu.memref_slice %arg8[%dma_start3A, %dma_start3A_9] : memref<64x128xi32, #tpu.memory_space<vmem>> -> memref<1x128xi32, #tpu.memory_space<vmem>>
    %dma_start3A_11 = tpu.memref_squeeze %dma_start3A_10 : memref<1x128xi32, #tpu.memory_space<vmem>> -> memref<128xi32, #tpu.memory_space<vmem>>
    %dma_start3A_12 = arith.constant 0 : i32
    %dma_start3A_13 = arith.constant 0 : i32
    %dma_start3A_14 = tpu.memref_slice %arg2[%dma_start3A_12, %dma_start3A_13] : memref<20000x128xf32, #tpu.memory_space<hbm>> -> memref<20000x128xf32, #tpu.memory_space<hbm>>
    tpu.enqueue_indirect_dma source(%dma_start3A_14 : memref<20000x128xf32, #tpu.memory_space<hbm>>) target(%arg10 : memref<128x128xf32, #tpu.memory_space<vmem>>) offsets(%dma_start3A_11 : memref<128xi32, #tpu.memory_space<vmem>>) semaphore(%arg12 : memref<!tpu.dma_semaphore, #tpu.memory_space<semaphore_mem>>)
    %jit3A_15 = arith.constant 2 : i32
    %div3A = arith.divsi %select_n3A, %jit3A_15 : i32
    %sign3A = arith.constant 0 : i32
    %sign3A_16 = arith.cmpi sgt, %select_n3A, %sign3A : i32
    %sign3A_17 = arith.extui %sign3A_16 : i1 to i32
    %sign3A_18 = arith.constant 0 : i32
    %sign3A_19 = arith.cmpi slt, %select_n3A, %sign3A_18 : i32
    %sign3A_20 = arith.extui %sign3A_19 : i1 to i32
    %sign3A_21 = arith.subi %sign3A_17, %sign3A_20 : i32
    %sign3A_22 = arith.constant 0 : i32
    %sign3A_23 = arith.cmpi sgt, %jit3A_15, %sign3A_22 : i32
    %sign3A_24 = arith.extui %sign3A_23 : i1 to i32
    %sign3A_25 = arith.constant 0 : i32
    %sign3A_26 = arith.cmpi slt, %jit3A_15, %sign3A_25 : i32
    %sign3A_27 = arith.extui %sign3A_26 : i1 to i32
    %sign3A_28 = arith.subi %sign3A_24, %sign3A_27 : i32
    %ne3A = arith.cmpi ne, %sign3A_21, %sign3A_28 : i32
    %rem3A = arith.remsi %select_n3A, %jit3A_15 : i32
    %ne3A_29 = arith.constant 0 : i32
    %ne3A_30 = arith.cmpi ne, %rem3A, %ne3A_29 : i32
    %and3A = arith.andi %ne3A, %ne3A_30 : i1
    %sub3A = arith.constant 1 : i32
    %sub3A_31 = arith.subi %div3A, %sub3A : i32
    %select_n3A_32 = arith.select %and3A, %sub3A_31, %div3A : i32
    %while3A = arith.constant 0 : i32
    %while3A_33 = arith.constant 0 : i32
    %while3A_34 = arith.subi %select_n3A_32, %while3A_33 : i32
    %while3A_35 = arith.addi %while3A_33, %while3A_34 : i32
    %while3A_36 = arith.constant 1 : i32
    %while3A_37 = arith.divsi %while3A_34, %while3A_36 : i32
    %while3A_38 = arith.muli %while3A_37, %while3A_36 : i32
    %while3A_39 = arith.addi %while3A_33, %while3A_38 : i32
    %while3A_40 = arith.constant 1 : i32
    scf.for %while3A_102 = %while3A_33 to %while3A_39 step %while3A_40  : i32 {
      %mul3A_103 = arith.constant 2 : i32
      %mul3A_104 = arith.muli %mul3A_103, %while3A_102 : i32
      %add3A_105 = arith.constant 1 : i32
      %add3A_106 = arith.addi %mul3A_104, %add3A_105 : i32
      %dma_start3A_107 = arith.constant 0 : i32
      %dma_start3A_108 = tpu.memref_slice %arg8[%add3A_106, %dma_start3A_107] : memref<64x128xi32, #tpu.memory_space<vmem>> -> memref<1x128xi32, #tpu.memory_space<vmem>>
      %dma_start3A_109 = tpu.memref_squeeze %dma_start3A_108 : memref<1x128xi32, #tpu.memory_space<vmem>> -> memref<128xi32, #tpu.memory_space<vmem>>
      %dma_start3A_110 = arith.constant 0 : i32
      %dma_start3A_111 = arith.constant 0 : i32
      %dma_start3A_112 = tpu.memref_slice %arg2[%dma_start3A_110, %dma_start3A_111] : memref<20000x128xf32, #tpu.memory_space<hbm>> -> memref<20000x128xf32, #tpu.memory_space<hbm>>
      tpu.enqueue_indirect_dma source(%dma_start3A_112 : memref<20000x128xf32, #tpu.memory_space<hbm>>) target(%arg11 : memref<128x128xf32, #tpu.memory_space<vmem>>) offsets(%dma_start3A_109 : memref<128xi32, #tpu.memory_space<vmem>>) semaphore(%arg13 : memref<!tpu.dma_semaphore, #tpu.memory_space<semaphore_mem>>)
      %dma_wait3A_113 = arith.constant 0 : i32
      %dma_wait3A_114 = tpu.memref_slice %arg8[%mul3A_104, %dma_wait3A_113] : memref<64x128xi32, #tpu.memory_space<vmem>> -> memref<1x128xi32, #tpu.memory_space<vmem>>
      %dma_wait3A_115 = tpu.memref_squeeze %dma_wait3A_114 : memref<1x128xi32, #tpu.memory_space<vmem>> -> memref<128xi32, #tpu.memory_space<vmem>>
      %dma_wait3A_116 = arith.constant 0 : i32
      %dma_wait3A_117 = arith.constant 0 : i32
      %dma_wait3A_118 = tpu.memref_slice %arg2[%dma_wait3A_116, %dma_wait3A_117] : memref<20000x128xf32, #tpu.memory_space<hbm>> -> memref<20000x128xf32, #tpu.memory_space<hbm>>
      tpu.wait_indirect_dma semaphore(%arg12 : memref<!tpu.dma_semaphore, #tpu.memory_space<semaphore_mem>>) src(%dma_wait3A_118 : memref<20000x128xf32, #tpu.memory_space<hbm>>) dst(%arg10 : memref<128x128xf32, #tpu.memory_space<vmem>>)
      "tpu.region"() ({
        %run_scoped3A = tpu.sem_alloc : memref<!tpu.dma_semaphore, #tpu.memory_space<semaphore_mem>>
        %dma_start3A_133 = arith.constant 0 : i32
        %dma_start3A_134 = tpu.memref_slice %arg9[%mul3A_104, %dma_start3A_133] : memref<56x128xi32, #tpu.memory_space<vmem>> -> memref<1x128xi32, #tpu.memory_space<vmem>>
        %dma_start3A_135 = tpu.memref_squeeze %dma_start3A_134 : memref<1x128xi32, #tpu.memory_space<vmem>> -> memref<128xi32, #tpu.memory_space<vmem>>
        %dma_start3A_136 = arith.constant 0 : i32
        %dma_start3A_137 = arith.constant 0 : i32
        %dma_start3A_138 = tpu.memref_slice %arg7[%dma_start3A_136, %dma_start3A_137] : memref<10112x128xf32, #tpu.memory_space<vmem_shared>> -> memref<10112x128xf32, #tpu.memory_space<vmem_shared>>
        tpu.enqueue_indirect_dma source(%arg10 : memref<128x128xf32, #tpu.memory_space<vmem>>) target(%dma_start3A_138 : memref<10112x128xf32, #tpu.memory_space<vmem_shared>>) offsets(%dma_start3A_135 : memref<128xi32, #tpu.memory_space<vmem>>) semaphore(%run_scoped3A : memref<!tpu.dma_semaphore, #tpu.memory_space<semaphore_mem>>) {add = true}
        %dma_wait3A_139 = arith.constant 0 : i32
        %dma_wait3A_140 = tpu.memref_slice %arg9[%mul3A_104, %dma_wait3A_139] : memref<56x128xi32, #tpu.memory_space<vmem>> -> memref<1x128xi32, #tpu.memory_space<vmem>>
        %dma_wait3A_141 = tpu.memref_squeeze %dma_wait3A_140 : memref<1x128xi32, #tpu.memory_space<vmem>> -> memref<128xi32, #tpu.memory_space<vmem>>
        %dma_wait3A_142 = arith.constant 0 : i32
        %dma_wait3A_143 = arith.constant 0 : i32
        %dma_wait3A_144 = tpu.memref_slice %arg7[%dma_wait3A_142, %dma_wait3A_143] : memref<10112x128xf32, #tpu.memory_space<vmem_shared>> -> memref<10112x128xf32, #tpu.memory_space<vmem_shared>>
        tpu.wait_indirect_dma semaphore(%run_scoped3A : memref<!tpu.dma_semaphore, #tpu.memory_space<semaphore_mem>>) src(%arg10 : memref<128x128xf32, #tpu.memory_space<vmem>>) dst(%dma_wait3A_144 : memref<10112x128xf32, #tpu.memory_space<vmem_shared>>)
        tpu.yield
      }) : () -> ()
      %add3A_119 = arith.constant 2 : i32
      %add3A_120 = arith.addi %mul3A_104, %add3A_119 : i32
      %dma_start3A_121 = arith.constant 0 : i32
      %dma_start3A_122 = tpu.memref_slice %arg8[%add3A_120, %dma_start3A_121] : memref<64x128xi32, #tpu.memory_space<vmem>> -> memref<1x128xi32, #tpu.memory_space<vmem>>
      %dma_start3A_123 = tpu.memref_squeeze %dma_start3A_122 : memref<1x128xi32, #tpu.memory_space<vmem>> -> memref<128xi32, #tpu.memory_space<vmem>>
      %dma_start3A_124 = arith.constant 0 : i32
      %dma_start3A_125 = arith.constant 0 : i32
      %dma_start3A_126 = tpu.memref_slice %arg2[%dma_start3A_124, %dma_start3A_125] : memref<20000x128xf32, #tpu.memory_space<hbm>> -> memref<20000x128xf32, #tpu.memory_space<hbm>>
      tpu.enqueue_indirect_dma source(%dma_start3A_126 : memref<20000x128xf32, #tpu.memory_space<hbm>>) target(%arg10 : memref<128x128xf32, #tpu.memory_space<vmem>>) offsets(%dma_start3A_123 : memref<128xi32, #tpu.memory_space<vmem>>) semaphore(%arg12 : memref<!tpu.dma_semaphore, #tpu.memory_space<semaphore_mem>>)
      %dma_wait3A_127 = arith.constant 0 : i32
      %dma_wait3A_128 = tpu.memref_slice %arg8[%add3A_106, %dma_wait3A_127] : memref<64x128xi32, #tpu.memory_space<vmem>> -> memref<1x128xi32, #tpu.memory_space<vmem>>
      %dma_wait3A_129 = tpu.memref_squeeze %dma_wait3A_128 : memref<1x128xi32, #tpu.memory_space<vmem>> -> memref<128xi32, #tpu.memory_space<vmem>>
      %dma_wait3A_130 = arith.constant 0 : i32
      %dma_wait3A_131 = arith.constant 0 : i32
      %dma_wait3A_132 = tpu.memref_slice %arg2[%dma_wait3A_130, %dma_wait3A_131] : memref<20000x128xf32, #tpu.memory_space<hbm>> -> memref<20000x128xf32, #tpu.memory_space<hbm>>
      tpu.wait_indirect_dma semaphore(%arg13 : memref<!tpu.dma_semaphore, #tpu.memory_space<semaphore_mem>>) src(%dma_wait3A_132 : memref<20000x128xf32, #tpu.memory_space<hbm>>) dst(%arg11 : memref<128x128xf32, #tpu.memory_space<vmem>>)
      "tpu.region"() ({
        %run_scoped3A = tpu.sem_alloc : memref<!tpu.dma_semaphore, #tpu.memory_space<semaphore_mem>>
        %dma_start3A_133 = arith.constant 0 : i32
        %dma_start3A_134 = tpu.memref_slice %arg9[%add3A_106, %dma_start3A_133] : memref<56x128xi32, #tpu.memory_space<vmem>> -> memref<1x128xi32, #tpu.memory_space<vmem>>
        %dma_start3A_135 = tpu.memref_squeeze %dma_start3A_134 : memref<1x128xi32, #tpu.memory_space<vmem>> -> memref<128xi32, #tpu.memory_space<vmem>>
        %dma_start3A_136 = arith.constant 0 : i32
        %dma_start3A_137 = arith.constant 0 : i32
        %dma_start3A_138 = tpu.memref_slice %arg7[%dma_start3A_136, %dma_start3A_137] : memref<10112x128xf32, #tpu.memory_space<vmem_shared>> -> memref<10112x128xf32, #tpu.memory_space<vmem_shared>>
        tpu.enqueue_indirect_dma source(%arg11 : memref<128x128xf32, #tpu.memory_space<vmem>>) target(%dma_start3A_138 : memref<10112x128xf32, #tpu.memory_space<vmem_shared>>) offsets(%dma_start3A_135 : memref<128xi32, #tpu.memory_space<vmem>>) semaphore(%run_scoped3A : memref<!tpu.dma_semaphore, #tpu.memory_space<semaphore_mem>>) {add = true}
        %dma_wait3A_139 = arith.constant 0 : i32
        %dma_wait3A_140 = tpu.memref_slice %arg9[%add3A_106, %dma_wait3A_139] : memref<56x128xi32, #tpu.memory_space<vmem>> -> memref<1x128xi32, #tpu.memory_space<vmem>>
        %dma_wait3A_141 = tpu.memref_squeeze %dma_wait3A_140 : memref<1x128xi32, #tpu.memory_space<vmem>> -> memref<128xi32, #tpu.memory_space<vmem>>
        %dma_wait3A_142 = arith.constant 0 : i32
        %dma_wait3A_143 = arith.constant 0 : i32
        %dma_wait3A_144 = tpu.memref_slice %arg7[%dma_wait3A_142, %dma_wait3A_143] : memref<10112x128xf32, #tpu.memory_space<vmem_shared>> -> memref<10112x128xf32, #tpu.memory_space<vmem_shared>>
        tpu.wait_indirect_dma semaphore(%run_scoped3A : memref<!tpu.dma_semaphore, #tpu.memory_space<semaphore_mem>>) src(%arg11 : memref<128x128xf32, #tpu.memory_space<vmem>>) dst(%dma_wait3A_144 : memref<10112x128xf32, #tpu.memory_space<vmem_shared>>)
        tpu.yield
      }) : () -> ()
    }
    %while3A_41 = arith.constant 1 : i32
    scf.for %while3A_102 = %while3A_39 to %while3A_35 step %while3A_41  : i32 {
      %mul3A_103 = arith.constant 2 : i32
      %mul3A_104 = arith.muli %mul3A_103, %while3A_102 : i32
      %add3A_105 = arith.constant 1 : i32
      %add3A_106 = arith.addi %mul3A_104, %add3A_105 : i32
      %dma_start3A_107 = arith.constant 0 : i32
      %dma_start3A_108 = tpu.memref_slice %arg8[%add3A_106, %dma_start3A_107] : memref<64x128xi32, #tpu.memory_space<vmem>> -> memref<1x128xi32, #tpu.memory_space<vmem>>
      %dma_start3A_109 = tpu.memref_squeeze %dma_start3A_108 : memref<1x128xi32, #tpu.memory_space<vmem>> -> memref<128xi32, #tpu.memory_space<vmem>>
      %dma_start3A_110 = arith.constant 0 : i32
      %dma_start3A_111 = arith.constant 0 : i32
      %dma_start3A_112 = tpu.memref_slice %arg2[%dma_start3A_110, %dma_start3A_111] : memref<20000x128xf32, #tpu.memory_space<hbm>> -> memref<20000x128xf32, #tpu.memory_space<hbm>>
      tpu.enqueue_indirect_dma source(%dma_start3A_112 : memref<20000x128xf32, #tpu.memory_space<hbm>>) target(%arg11 : memref<128x128xf32, #tpu.memory_space<vmem>>) offsets(%dma_start3A_109 : memref<128xi32, #tpu.memory_space<vmem>>) semaphore(%arg13 : memref<!tpu.dma_semaphore, #tpu.memory_space<semaphore_mem>>)
      %dma_wait3A_113 = arith.constant 0 : i32
      %dma_wait3A_114 = tpu.memref_slice %arg8[%mul3A_104, %dma_wait3A_113] : memref<64x128xi32, #tpu.memory_space<vmem>> -> memref<1x128xi32, #tpu.memory_space<vmem>>
      %dma_wait3A_115 = tpu.memref_squeeze %dma_wait3A_114 : memref<1x128xi32, #tpu.memory_space<vmem>> -> memref<128xi32, #tpu.memory_space<vmem>>
      %dma_wait3A_116 = arith.constant 0 : i32
      %dma_wait3A_117 = arith.constant 0 : i32
      %dma_wait3A_118 = tpu.memref_slice %arg2[%dma_wait3A_116, %dma_wait3A_117] : memref<20000x128xf32, #tpu.memory_space<hbm>> -> memref<20000x128xf32, #tpu.memory_space<hbm>>
      tpu.wait_indirect_dma semaphore(%arg12 : memref<!tpu.dma_semaphore, #tpu.memory_space<semaphore_mem>>) src(%dma_wait3A_118 : memref<20000x128xf32, #tpu.memory_space<hbm>>) dst(%arg10 : memref<128x128xf32, #tpu.memory_space<vmem>>)
      "tpu.region"() ({
        %run_scoped3A = tpu.sem_alloc : memref<!tpu.dma_semaphore, #tpu.memory_space<semaphore_mem>>
        %dma_start3A_133 = arith.constant 0 : i32
        %dma_start3A_134 = tpu.memref_slice %arg9[%mul3A_104, %dma_start3A_133] : memref<56x128xi32, #tpu.memory_space<vmem>> -> memref<1x128xi32, #tpu.memory_space<vmem>>
        %dma_start3A_135 = tpu.memref_squeeze %dma_start3A_134 : memref<1x128xi32, #tpu.memory_space<vmem>> -> memref<128xi32, #tpu.memory_space<vmem>>
        %dma_start3A_136 = arith.constant 0 : i32
        %dma_start3A_137 = arith.constant 0 : i32
        %dma_start3A_138 = tpu.memref_slice %arg7[%dma_start3A_136, %dma_start3A_137] : memref<10112x128xf32, #tpu.memory_space<vmem_shared>> -> memref<10112x128xf32, #tpu.memory_space<vmem_shared>>
        tpu.enqueue_indirect_dma source(%arg10 : memref<128x128xf32, #tpu.memory_space<vmem>>) target(%dma_start3A_138 : memref<10112x128xf32, #tpu.memory_space<vmem_shared>>) offsets(%dma_start3A_135 : memref<128xi32, #tpu.memory_space<vmem>>) semaphore(%run_scoped3A : memref<!tpu.dma_semaphore, #tpu.memory_space<semaphore_mem>>) {add = true}
        %dma_wait3A_139 = arith.constant 0 : i32
        %dma_wait3A_140 = tpu.memref_slice %arg9[%mul3A_104, %dma_wait3A_139] : memref<56x128xi32, #tpu.memory_space<vmem>> -> memref<1x128xi32, #tpu.memory_space<vmem>>
        %dma_wait3A_141 = tpu.memref_squeeze %dma_wait3A_140 : memref<1x128xi32, #tpu.memory_space<vmem>> -> memref<128xi32, #tpu.memory_space<vmem>>
        %dma_wait3A_142 = arith.constant 0 : i32
        %dma_wait3A_143 = arith.constant 0 : i32
        %dma_wait3A_144 = tpu.memref_slice %arg7[%dma_wait3A_142, %dma_wait3A_143] : memref<10112x128xf32, #tpu.memory_space<vmem_shared>> -> memref<10112x128xf32, #tpu.memory_space<vmem_shared>>
        tpu.wait_indirect_dma semaphore(%run_scoped3A : memref<!tpu.dma_semaphore, #tpu.memory_space<semaphore_mem>>) src(%arg10 : memref<128x128xf32, #tpu.memory_space<vmem>>) dst(%dma_wait3A_144 : memref<10112x128xf32, #tpu.memory_space<vmem_shared>>)
        tpu.yield
      }) : () -> ()
      %add3A_119 = arith.constant 2 : i32
      %add3A_120 = arith.addi %mul3A_104, %add3A_119 : i32
      %dma_start3A_121 = arith.constant 0 : i32
      %dma_start3A_122 = tpu.memref_slice %arg8[%add3A_120, %dma_start3A_121] : memref<64x128xi32, #tpu.memory_space<vmem>> -> memref<1x128xi32, #tpu.memory_space<vmem>>
      %dma_start3A_123 = tpu.memref_squeeze %dma_start3A_122 : memref<1x128xi32, #tpu.memory_space<vmem>> -> memref<128xi32, #tpu.memory_space<vmem>>
      %dma_start3A_124 = arith.constant 0 : i32
      %dma_start3A_125 = arith.constant 0 : i32
      %dma_start3A_126 = tpu.memref_slice %arg2[%dma_start3A_124, %dma_start3A_125] : memref<20000x128xf32, #tpu.memory_space<hbm>> -> memref<20000x128xf32, #tpu.memory_space<hbm>>
      tpu.enqueue_indirect_dma source(%dma_start3A_126 : memref<20000x128xf32, #tpu.memory_space<hbm>>) target(%arg10 : memref<128x128xf32, #tpu.memory_space<vmem>>) offsets(%dma_start3A_123 : memref<128xi32, #tpu.memory_space<vmem>>) semaphore(%arg12 : memref<!tpu.dma_semaphore, #tpu.memory_space<semaphore_mem>>)
      %dma_wait3A_127 = arith.constant 0 : i32
      %dma_wait3A_128 = tpu.memref_slice %arg8[%add3A_106, %dma_wait3A_127] : memref<64x128xi32, #tpu.memory_space<vmem>> -> memref<1x128xi32, #tpu.memory_space<vmem>>
      %dma_wait3A_129 = tpu.memref_squeeze %dma_wait3A_128 : memref<1x128xi32, #tpu.memory_space<vmem>> -> memref<128xi32, #tpu.memory_space<vmem>>
      %dma_wait3A_130 = arith.constant 0 : i32
      %dma_wait3A_131 = arith.constant 0 : i32
      %dma_wait3A_132 = tpu.memref_slice %arg2[%dma_wait3A_130, %dma_wait3A_131] : memref<20000x128xf32, #tpu.memory_space<hbm>> -> memref<20000x128xf32, #tpu.memory_space<hbm>>
      tpu.wait_indirect_dma semaphore(%arg13 : memref<!tpu.dma_semaphore, #tpu.memory_space<semaphore_mem>>) src(%dma_wait3A_132 : memref<20000x128xf32, #tpu.memory_space<hbm>>) dst(%arg11 : memref<128x128xf32, #tpu.memory_space<vmem>>)
      "tpu.region"() ({
        %run_scoped3A = tpu.sem_alloc : memref<!tpu.dma_semaphore, #tpu.memory_space<semaphore_mem>>
        %dma_start3A_133 = arith.constant 0 : i32
        %dma_start3A_134 = tpu.memref_slice %arg9[%add3A_106, %dma_start3A_133] : memref<56x128xi32, #tpu.memory_space<vmem>> -> memref<1x128xi32, #tpu.memory_space<vmem>>
        %dma_start3A_135 = tpu.memref_squeeze %dma_start3A_134 : memref<1x128xi32, #tpu.memory_space<vmem>> -> memref<128xi32, #tpu.memory_space<vmem>>
        %dma_start3A_136 = arith.constant 0 : i32
        %dma_start3A_137 = arith.constant 0 : i32
        %dma_start3A_138 = tpu.memref_slice %arg7[%dma_start3A_136, %dma_start3A_137] : memref<10112x128xf32, #tpu.memory_space<vmem_shared>> -> memref<10112x128xf32, #tpu.memory_space<vmem_shared>>
        tpu.enqueue_indirect_dma source(%arg11 : memref<128x128xf32, #tpu.memory_space<vmem>>) target(%dma_start3A_138 : memref<10112x128xf32, #tpu.memory_space<vmem_shared>>) offsets(%dma_start3A_135 : memref<128xi32, #tpu.memory_space<vmem>>) semaphore(%run_scoped3A : memref<!tpu.dma_semaphore, #tpu.memory_space<semaphore_mem>>) {add = true}
        %dma_wait3A_139 = arith.constant 0 : i32
        %dma_wait3A_140 = tpu.memref_slice %arg9[%add3A_106, %dma_wait3A_139] : memref<56x128xi32, #tpu.memory_space<vmem>> -> memref<1x128xi32, #tpu.memory_space<vmem>>
        %dma_wait3A_141 = tpu.memref_squeeze %dma_wait3A_140 : memref<1x128xi32, #tpu.memory_space<vmem>> -> memref<128xi32, #tpu.memory_space<vmem>>
        %dma_wait3A_142 = arith.constant 0 : i32
        %dma_wait3A_143 = arith.constant 0 : i32
        %dma_wait3A_144 = tpu.memref_slice %arg7[%dma_wait3A_142, %dma_wait3A_143] : memref<10112x128xf32, #tpu.memory_space<vmem_shared>> -> memref<10112x128xf32, #tpu.memory_space<vmem_shared>>
        tpu.wait_indirect_dma semaphore(%run_scoped3A : memref<!tpu.dma_semaphore, #tpu.memory_space<semaphore_mem>>) src(%arg11 : memref<128x128xf32, #tpu.memory_space<vmem>>) dst(%dma_wait3A_144 : memref<10112x128xf32, #tpu.memory_space<vmem_shared>>)
        tpu.yield
      }) : () -> ()
    }
    %dma_wait3A = arith.constant 0 : i32
    %dma_wait3A_42 = tpu.memref_slice %arg8[%select_n3A, %dma_wait3A] : memref<64x128xi32, #tpu.memory_space<vmem>> -> memref<1x128xi32, #tpu.memory_space<vmem>>
    %dma_wait3A_43 = tpu.memref_squeeze %dma_wait3A_42 : memref<1x128xi32, #tpu.memory_space<vmem>> -> memref<128xi32, #tpu.memory_space<vmem>>
    %dma_wait3A_44 = arith.constant 0 : i32
    %dma_wait3A_45 = arith.constant 0 : i32
    %dma_wait3A_46 = tpu.memref_slice %arg2[%dma_wait3A_44, %dma_wait3A_45] : memref<20000x128xf32, #tpu.memory_space<hbm>> -> memref<20000x128xf32, #tpu.memory_space<hbm>>
    tpu.wait_indirect_dma semaphore(%arg12 : memref<!tpu.dma_semaphore, #tpu.memory_space<semaphore_mem>>) src(%dma_wait3A_46 : memref<20000x128xf32, #tpu.memory_space<hbm>>) dst(%arg10 : memref<128x128xf32, #tpu.memory_space<vmem>>)
    %mul3A_47 = arith.constant 1 : i32
    %mul3A_48 = arith.muli %mul3A_47, %select_n3A : i32
    %multiple_of3A_49 = tpu.assume_multiple %mul3A_48, 8 : i32
    "tpu.region"() ({
      %run_scoped3A = tpu.sem_alloc : memref<!tpu.dma_semaphore, #tpu.memory_space<semaphore_mem>>
      %dma_start3A_102 = arith.constant 0 : i32
      %dma_start3A_103 = arith.constant 0 : i32
      %dma_start3A_104 = tpu.memref_slice %arg3[%add3A, %dma_start3A_102, %dma_start3A_103] : memref<32x120x128xi32, #tpu.memory_space<hbm>> -> memref<1x120x128xi32, #tpu.memory_space<hbm>>
      %dma_start3A_105 = tpu.memref_squeeze %dma_start3A_104 : memref<1x120x128xi32, #tpu.memory_space<hbm>> -> memref<120x128xi32, #tpu.memory_space<hbm>>
      %dma_start3A_106 = arith.constant 0 : i32
      %dma_start3A_107 = tpu.memref_slice %dma_start3A_105[%multiple_of3A_49, %dma_start3A_106] : memref<120x128xi32, #tpu.memory_space<hbm>> -> memref<64x128xi32, #tpu.memory_space<hbm>>
      %dma_start3A_108 = arith.constant 0 : i32
      %dma_start3A_109 = arith.constant 0 : i32
      %dma_start3A_110 = tpu.memref_slice %arg3[%add3A, %dma_start3A_108, %dma_start3A_109] : memref<32x120x128xi32, #tpu.memory_space<hbm>> -> memref<1x120x128xi32, #tpu.memory_space<hbm>>
      %dma_start3A_111 = tpu.memref_squeeze %dma_start3A_110 : memref<1x120x128xi32, #tpu.memory_space<hbm>> -> memref<120x128xi32, #tpu.memory_space<hbm>>
      %dma_start3A_112 = arith.constant 0 : i32
      %dma_start3A_113 = tpu.memref_slice %dma_start3A_111[%multiple_of3A_49, %dma_start3A_112] : memref<120x128xi32, #tpu.memory_space<hbm>> -> memref<64x128xi32, #tpu.memory_space<hbm>>
      tpu.enqueue_dma source(%dma_start3A_113 : memref<64x128xi32, #tpu.memory_space<hbm>>) target(%arg8 : memref<64x128xi32, #tpu.memory_space<vmem>>) target_semaphore(%run_scoped3A : memref<!tpu.dma_semaphore, #tpu.memory_space<semaphore_mem>>)
      %dma_wait3A_114 = arith.constant 0 : i32
      %dma_wait3A_115 = arith.constant 0 : i32
      %dma_wait3A_116 = tpu.memref_slice %arg3[%add3A, %dma_wait3A_114, %dma_wait3A_115] : memref<32x120x128xi32, #tpu.memory_space<hbm>> -> memref<1x120x128xi32, #tpu.memory_space<hbm>>
      %dma_wait3A_117 = tpu.memref_squeeze %dma_wait3A_116 : memref<1x120x128xi32, #tpu.memory_space<hbm>> -> memref<120x128xi32, #tpu.memory_space<hbm>>
      %dma_wait3A_118 = arith.constant 0 : i32
      %dma_wait3A_119 = tpu.memref_slice %dma_wait3A_117[%multiple_of3A_49, %dma_wait3A_118] : memref<120x128xi32, #tpu.memory_space<hbm>> -> memref<64x128xi32, #tpu.memory_space<hbm>>
      %dma_wait3A_120 = arith.constant 0 : i32
      %dma_wait3A_121 = arith.constant 0 : i32
      %dma_wait3A_122 = tpu.memref_slice %arg3[%add3A, %dma_wait3A_120, %dma_wait3A_121] : memref<32x120x128xi32, #tpu.memory_space<hbm>> -> memref<1x120x128xi32, #tpu.memory_space<hbm>>
      %dma_wait3A_123 = tpu.memref_squeeze %dma_wait3A_122 : memref<1x120x128xi32, #tpu.memory_space<hbm>> -> memref<120x128xi32, #tpu.memory_space<hbm>>
      %dma_wait3A_124 = arith.constant 0 : i32
      %dma_wait3A_125 = tpu.memref_slice %dma_wait3A_123[%multiple_of3A_49, %dma_wait3A_124] : memref<120x128xi32, #tpu.memory_space<hbm>> -> memref<64x128xi32, #tpu.memory_space<hbm>>
      tpu.wait_dma2 semaphore(%run_scoped3A : memref<!tpu.dma_semaphore, #tpu.memory_space<semaphore_mem>>) src(%dma_wait3A_125 : memref<64x128xi32, #tpu.memory_space<hbm>>) dst(%arg8 : memref<64x128xi32, #tpu.memory_space<vmem>>)
      tpu.yield
    }) : () -> ()
    "tpu.region"() ({
      %run_scoped3A = tpu.sem_alloc : memref<!tpu.dma_semaphore, #tpu.memory_space<semaphore_mem>>
      %dma_start3A_102 = arith.constant 0 : i32
      %dma_start3A_103 = arith.constant 0 : i32
      %dma_start3A_104 = tpu.memref_slice %arg4[%add3A, %dma_start3A_102, %dma_start3A_103] : memref<32x120x128xi32, #tpu.memory_space<hbm>> -> memref<1x120x128xi32, #tpu.memory_space<hbm>>
      %dma_start3A_105 = tpu.memref_squeeze %dma_start3A_104 : memref<1x120x128xi32, #tpu.memory_space<hbm>> -> memref<120x128xi32, #tpu.memory_space<hbm>>
      %dma_start3A_106 = arith.constant 0 : i32
      %dma_start3A_107 = tpu.memref_slice %dma_start3A_105[%multiple_of3A_49, %dma_start3A_106] : memref<120x128xi32, #tpu.memory_space<hbm>> -> memref<56x128xi32, #tpu.memory_space<hbm>>
      %dma_start3A_108 = arith.constant 0 : i32
      %dma_start3A_109 = arith.constant 0 : i32
      %dma_start3A_110 = tpu.memref_slice %arg4[%add3A, %dma_start3A_108, %dma_start3A_109] : memref<32x120x128xi32, #tpu.memory_space<hbm>> -> memref<1x120x128xi32, #tpu.memory_space<hbm>>
      %dma_start3A_111 = tpu.memref_squeeze %dma_start3A_110 : memref<1x120x128xi32, #tpu.memory_space<hbm>> -> memref<120x128xi32, #tpu.memory_space<hbm>>
      %dma_start3A_112 = arith.constant 0 : i32
      %dma_start3A_113 = tpu.memref_slice %dma_start3A_111[%multiple_of3A_49, %dma_start3A_112] : memref<120x128xi32, #tpu.memory_space<hbm>> -> memref<56x128xi32, #tpu.memory_space<hbm>>
      tpu.enqueue_dma source(%dma_start3A_113 : memref<56x128xi32, #tpu.memory_space<hbm>>) target(%arg9 : memref<56x128xi32, #tpu.memory_space<vmem>>) target_semaphore(%run_scoped3A : memref<!tpu.dma_semaphore, #tpu.memory_space<semaphore_mem>>)
      %dma_wait3A_114 = arith.constant 0 : i32
      %dma_wait3A_115 = arith.constant 0 : i32
      %dma_wait3A_116 = tpu.memref_slice %arg4[%add3A, %dma_wait3A_114, %dma_wait3A_115] : memref<32x120x128xi32, #tpu.memory_space<hbm>> -> memref<1x120x128xi32, #tpu.memory_space<hbm>>
      %dma_wait3A_117 = tpu.memref_squeeze %dma_wait3A_116 : memref<1x120x128xi32, #tpu.memory_space<hbm>> -> memref<120x128xi32, #tpu.memory_space<hbm>>
      %dma_wait3A_118 = arith.constant 0 : i32
      %dma_wait3A_119 = tpu.memref_slice %dma_wait3A_117[%multiple_of3A_49, %dma_wait3A_118] : memref<120x128xi32, #tpu.memory_space<hbm>> -> memref<56x128xi32, #tpu.memory_space<hbm>>
      %dma_wait3A_120 = arith.constant 0 : i32
      %dma_wait3A_121 = arith.constant 0 : i32
      %dma_wait3A_122 = tpu.memref_slice %arg4[%add3A, %dma_wait3A_120, %dma_wait3A_121] : memref<32x120x128xi32, #tpu.memory_space<hbm>> -> memref<1x120x128xi32, #tpu.memory_space<hbm>>
      %dma_wait3A_123 = tpu.memref_squeeze %dma_wait3A_122 : memref<1x120x128xi32, #tpu.memory_space<hbm>> -> memref<120x128xi32, #tpu.memory_space<hbm>>
      %dma_wait3A_124 = arith.constant 0 : i32
      %dma_wait3A_125 = tpu.memref_slice %dma_wait3A_123[%multiple_of3A_49, %dma_wait3A_124] : memref<120x128xi32, #tpu.memory_space<hbm>> -> memref<56x128xi32, #tpu.memory_space<hbm>>
      tpu.wait_dma2 semaphore(%run_scoped3A : memref<!tpu.dma_semaphore, #tpu.memory_space<semaphore_mem>>) src(%dma_wait3A_125 : memref<56x128xi32, #tpu.memory_space<hbm>>) dst(%arg9 : memref<56x128xi32, #tpu.memory_space<vmem>>)
      tpu.yield
    }) : () -> ()
    %dma_start3A_50 = arith.constant 0 : i32
    %dma_start3A_51 = arith.constant 0 : i32
    %dma_start3A_52 = tpu.memref_slice %arg8[%dma_start3A_50, %dma_start3A_51] : memref<64x128xi32, #tpu.memory_space<vmem>> -> memref<1x128xi32, #tpu.memory_space<vmem>>
    %dma_start3A_53 = tpu.memref_squeeze %dma_start3A_52 : memref<1x128xi32, #tpu.memory_space<vmem>> -> memref<128xi32, #tpu.memory_space<vmem>>
    %dma_start3A_54 = arith.constant 0 : i32
    %dma_start3A_55 = arith.constant 0 : i32
    %dma_start3A_56 = tpu.memref_slice %arg2[%dma_start3A_54, %dma_start3A_55] : memref<20000x128xf32, #tpu.memory_space<hbm>> -> memref<20000x128xf32, #tpu.memory_space<hbm>>
    tpu.enqueue_indirect_dma source(%dma_start3A_56 : memref<20000x128xf32, #tpu.memory_space<hbm>>) target(%arg10 : memref<128x128xf32, #tpu.memory_space<vmem>>) offsets(%dma_start3A_53 : memref<128xi32, #tpu.memory_space<vmem>>) semaphore(%arg12 : memref<!tpu.dma_semaphore, #tpu.memory_space<semaphore_mem>>)
    %jit3A_57 = arith.constant 2 : i32
    %div3A_58 = arith.divsi %select_n3A, %jit3A_57 : i32
    %sign3A_59 = arith.constant 0 : i32
    %sign3A_60 = arith.cmpi sgt, %select_n3A, %sign3A_59 : i32
    %sign3A_61 = arith.extui %sign3A_60 : i1 to i32
    %sign3A_62 = arith.constant 0 : i32
    %sign3A_63 = arith.cmpi slt, %select_n3A, %sign3A_62 : i32
    %sign3A_64 = arith.extui %sign3A_63 : i1 to i32
    %sign3A_65 = arith.subi %sign3A_61, %sign3A_64 : i32
    %sign3A_66 = arith.constant 0 : i32
    %sign3A_67 = arith.cmpi sgt, %jit3A_57, %sign3A_66 : i32
    %sign3A_68 = arith.extui %sign3A_67 : i1 to i32
    %sign3A_69 = arith.constant 0 : i32
    %sign3A_70 = arith.cmpi slt, %jit3A_57, %sign3A_69 : i32
    %sign3A_71 = arith.extui %sign3A_70 : i1 to i32
    %sign3A_72 = arith.subi %sign3A_68, %sign3A_71 : i32
    %ne3A_73 = arith.cmpi ne, %sign3A_65, %sign3A_72 : i32
    %rem3A_74 = arith.remsi %select_n3A, %jit3A_57 : i32
    %ne3A_75 = arith.constant 0 : i32
    %ne3A_76 = arith.cmpi ne, %rem3A_74, %ne3A_75 : i32
    %and3A_77 = arith.andi %ne3A_73, %ne3A_76 : i1
    %sub3A_78 = arith.constant 1 : i32
    %sub3A_79 = arith.subi %div3A_58, %sub3A_78 : i32
    %select_n3A_80 = arith.select %and3A_77, %sub3A_79, %div3A_58 : i32
    %while3A_81 = arith.constant 0 : i32
    %while3A_82 = arith.constant 0 : i32
    %while3A_83 = arith.subi %select_n3A_80, %while3A_82 : i32
    %while3A_84 = arith.addi %while3A_82, %while3A_83 : i32
    %while3A_85 = arith.constant 1 : i32
    %while3A_86 = arith.divsi %while3A_83, %while3A_85 : i32
    %while3A_87 = arith.muli %while3A_86, %while3A_85 : i32
    %while3A_88 = arith.addi %while3A_82, %while3A_87 : i32
    %while3A_89 = arith.constant 1 : i32
    scf.for %while3A_102 = %while3A_82 to %while3A_88 step %while3A_89  : i32 {
      %mul3A_103 = arith.constant 2 : i32
      %mul3A_104 = arith.muli %mul3A_103, %while3A_102 : i32
      %add3A_105 = arith.constant 1 : i32
      %add3A_106 = arith.addi %mul3A_104, %add3A_105 : i32
      %dma_start3A_107 = arith.constant 0 : i32
      %dma_start3A_108 = tpu.memref_slice %arg8[%add3A_106, %dma_start3A_107] : memref<64x128xi32, #tpu.memory_space<vmem>> -> memref<1x128xi32, #tpu.memory_space<vmem>>
      %dma_start3A_109 = tpu.memref_squeeze %dma_start3A_108 : memref<1x128xi32, #tpu.memory_space<vmem>> -> memref<128xi32, #tpu.memory_space<vmem>>
      %dma_start3A_110 = arith.constant 0 : i32
      %dma_start3A_111 = arith.constant 0 : i32
      %dma_start3A_112 = tpu.memref_slice %arg2[%dma_start3A_110, %dma_start3A_111] : memref<20000x128xf32, #tpu.memory_space<hbm>> -> memref<20000x128xf32, #tpu.memory_space<hbm>>
      tpu.enqueue_indirect_dma source(%dma_start3A_112 : memref<20000x128xf32, #tpu.memory_space<hbm>>) target(%arg11 : memref<128x128xf32, #tpu.memory_space<vmem>>) offsets(%dma_start3A_109 : memref<128xi32, #tpu.memory_space<vmem>>) semaphore(%arg13 : memref<!tpu.dma_semaphore, #tpu.memory_space<semaphore_mem>>)
      %dma_wait3A_113 = arith.constant 0 : i32
      %dma_wait3A_114 = tpu.memref_slice %arg8[%mul3A_104, %dma_wait3A_113] : memref<64x128xi32, #tpu.memory_space<vmem>> -> memref<1x128xi32, #tpu.memory_space<vmem>>
      %dma_wait3A_115 = tpu.memref_squeeze %dma_wait3A_114 : memref<1x128xi32, #tpu.memory_space<vmem>> -> memref<128xi32, #tpu.memory_space<vmem>>
      %dma_wait3A_116 = arith.constant 0 : i32
      %dma_wait3A_117 = arith.constant 0 : i32
      %dma_wait3A_118 = tpu.memref_slice %arg2[%dma_wait3A_116, %dma_wait3A_117] : memref<20000x128xf32, #tpu.memory_space<hbm>> -> memref<20000x128xf32, #tpu.memory_space<hbm>>
      tpu.wait_indirect_dma semaphore(%arg12 : memref<!tpu.dma_semaphore, #tpu.memory_space<semaphore_mem>>) src(%dma_wait3A_118 : memref<20000x128xf32, #tpu.memory_space<hbm>>) dst(%arg10 : memref<128x128xf32, #tpu.memory_space<vmem>>)
      "tpu.region"() ({
        %run_scoped3A = tpu.sem_alloc : memref<!tpu.dma_semaphore, #tpu.memory_space<semaphore_mem>>
        %dma_start3A_133 = arith.constant 0 : i32
        %dma_start3A_134 = tpu.memref_slice %arg9[%mul3A_104, %dma_start3A_133] : memref<56x128xi32, #tpu.memory_space<vmem>> -> memref<1x128xi32, #tpu.memory_space<vmem>>
        %dma_start3A_135 = tpu.memref_squeeze %dma_start3A_134 : memref<1x128xi32, #tpu.memory_space<vmem>> -> memref<128xi32, #tpu.memory_space<vmem>>
        %dma_start3A_136 = arith.constant 0 : i32
        %dma_start3A_137 = arith.constant 0 : i32
        %dma_start3A_138 = tpu.memref_slice %arg7[%dma_start3A_136, %dma_start3A_137] : memref<10112x128xf32, #tpu.memory_space<vmem_shared>> -> memref<10112x128xf32, #tpu.memory_space<vmem_shared>>
        tpu.enqueue_indirect_dma source(%arg10 : memref<128x128xf32, #tpu.memory_space<vmem>>) target(%dma_start3A_138 : memref<10112x128xf32, #tpu.memory_space<vmem_shared>>) offsets(%dma_start3A_135 : memref<128xi32, #tpu.memory_space<vmem>>) semaphore(%run_scoped3A : memref<!tpu.dma_semaphore, #tpu.memory_space<semaphore_mem>>) {add = true}
        %dma_wait3A_139 = arith.constant 0 : i32
        %dma_wait3A_140 = tpu.memref_slice %arg9[%mul3A_104, %dma_wait3A_139] : memref<56x128xi32, #tpu.memory_space<vmem>> -> memref<1x128xi32, #tpu.memory_space<vmem>>
        %dma_wait3A_141 = tpu.memref_squeeze %dma_wait3A_140 : memref<1x128xi32, #tpu.memory_space<vmem>> -> memref<128xi32, #tpu.memory_space<vmem>>
        %dma_wait3A_142 = arith.constant 0 : i32
        %dma_wait3A_143 = arith.constant 0 : i32
        %dma_wait3A_144 = tpu.memref_slice %arg7[%dma_wait3A_142, %dma_wait3A_143] : memref<10112x128xf32, #tpu.memory_space<vmem_shared>> -> memref<10112x128xf32, #tpu.memory_space<vmem_shared>>
        tpu.wait_indirect_dma semaphore(%run_scoped3A : memref<!tpu.dma_semaphore, #tpu.memory_space<semaphore_mem>>) src(%arg10 : memref<128x128xf32, #tpu.memory_space<vmem>>) dst(%dma_wait3A_144 : memref<10112x128xf32, #tpu.memory_space<vmem_shared>>)
        tpu.yield
      }) : () -> ()
      %add3A_119 = arith.constant 2 : i32
      %add3A_120 = arith.addi %mul3A_104, %add3A_119 : i32
      %dma_start3A_121 = arith.constant 0 : i32
      %dma_start3A_122 = tpu.memref_slice %arg8[%add3A_120, %dma_start3A_121] : memref<64x128xi32, #tpu.memory_space<vmem>> -> memref<1x128xi32, #tpu.memory_space<vmem>>
      %dma_start3A_123 = tpu.memref_squeeze %dma_start3A_122 : memref<1x128xi32, #tpu.memory_space<vmem>> -> memref<128xi32, #tpu.memory_space<vmem>>
      %dma_start3A_124 = arith.constant 0 : i32
      %dma_start3A_125 = arith.constant 0 : i32
      %dma_start3A_126 = tpu.memref_slice %arg2[%dma_start3A_124, %dma_start3A_125] : memref<20000x128xf32, #tpu.memory_space<hbm>> -> memref<20000x128xf32, #tpu.memory_space<hbm>>
      tpu.enqueue_indirect_dma source(%dma_start3A_126 : memref<20000x128xf32, #tpu.memory_space<hbm>>) target(%arg10 : memref<128x128xf32, #tpu.memory_space<vmem>>) offsets(%dma_start3A_123 : memref<128xi32, #tpu.memory_space<vmem>>) semaphore(%arg12 : memref<!tpu.dma_semaphore, #tpu.memory_space<semaphore_mem>>)
      %dma_wait3A_127 = arith.constant 0 : i32
      %dma_wait3A_128 = tpu.memref_slice %arg8[%add3A_106, %dma_wait3A_127] : memref<64x128xi32, #tpu.memory_space<vmem>> -> memref<1x128xi32, #tpu.memory_space<vmem>>
      %dma_wait3A_129 = tpu.memref_squeeze %dma_wait3A_128 : memref<1x128xi32, #tpu.memory_space<vmem>> -> memref<128xi32, #tpu.memory_space<vmem>>
      %dma_wait3A_130 = arith.constant 0 : i32
      %dma_wait3A_131 = arith.constant 0 : i32
      %dma_wait3A_132 = tpu.memref_slice %arg2[%dma_wait3A_130, %dma_wait3A_131] : memref<20000x128xf32, #tpu.memory_space<hbm>> -> memref<20000x128xf32, #tpu.memory_space<hbm>>
      tpu.wait_indirect_dma semaphore(%arg13 : memref<!tpu.dma_semaphore, #tpu.memory_space<semaphore_mem>>) src(%dma_wait3A_132 : memref<20000x128xf32, #tpu.memory_space<hbm>>) dst(%arg11 : memref<128x128xf32, #tpu.memory_space<vmem>>)
      "tpu.region"() ({
        %run_scoped3A = tpu.sem_alloc : memref<!tpu.dma_semaphore, #tpu.memory_space<semaphore_mem>>
        %dma_start3A_133 = arith.constant 0 : i32
        %dma_start3A_134 = tpu.memref_slice %arg9[%add3A_106, %dma_start3A_133] : memref<56x128xi32, #tpu.memory_space<vmem>> -> memref<1x128xi32, #tpu.memory_space<vmem>>
        %dma_start3A_135 = tpu.memref_squeeze %dma_start3A_134 : memref<1x128xi32, #tpu.memory_space<vmem>> -> memref<128xi32, #tpu.memory_space<vmem>>
        %dma_start3A_136 = arith.constant 0 : i32
        %dma_start3A_137 = arith.constant 0 : i32
        %dma_start3A_138 = tpu.memref_slice %arg7[%dma_start3A_136, %dma_start3A_137] : memref<10112x128xf32, #tpu.memory_space<vmem_shared>> -> memref<10112x128xf32, #tpu.memory_space<vmem_shared>>
        tpu.enqueue_indirect_dma source(%arg11 : memref<128x128xf32, #tpu.memory_space<vmem>>) target(%dma_start3A_138 : memref<10112x128xf32, #tpu.memory_space<vmem_shared>>) offsets(%dma_start3A_135 : memref<128xi32, #tpu.memory_space<vmem>>) semaphore(%run_scoped3A : memref<!tpu.dma_semaphore, #tpu.memory_space<semaphore_mem>>) {add = true}
        %dma_wait3A_139 = arith.constant 0 : i32
        %dma_wait3A_140 = tpu.memref_slice %arg9[%add3A_106, %dma_wait3A_139] : memref<56x128xi32, #tpu.memory_space<vmem>> -> memref<1x128xi32, #tpu.memory_space<vmem>>
        %dma_wait3A_141 = tpu.memref_squeeze %dma_wait3A_140 : memref<1x128xi32, #tpu.memory_space<vmem>> -> memref<128xi32, #tpu.memory_space<vmem>>
        %dma_wait3A_142 = arith.constant 0 : i32
        %dma_wait3A_143 = arith.constant 0 : i32
        %dma_wait3A_144 = tpu.memref_slice %arg7[%dma_wait3A_142, %dma_wait3A_143] : memref<10112x128xf32, #tpu.memory_space<vmem_shared>> -> memref<10112x128xf32, #tpu.memory_space<vmem_shared>>
        tpu.wait_indirect_dma semaphore(%run_scoped3A : memref<!tpu.dma_semaphore, #tpu.memory_space<semaphore_mem>>) src(%arg11 : memref<128x128xf32, #tpu.memory_space<vmem>>) dst(%dma_wait3A_144 : memref<10112x128xf32, #tpu.memory_space<vmem_shared>>)
        tpu.yield
      }) : () -> ()
    }
    %while3A_90 = arith.constant 1 : i32
    scf.for %while3A_102 = %while3A_88 to %while3A_84 step %while3A_90  : i32 {
      %mul3A_103 = arith.constant 2 : i32
      %mul3A_104 = arith.muli %mul3A_103, %while3A_102 : i32
      %add3A_105 = arith.constant 1 : i32
      %add3A_106 = arith.addi %mul3A_104, %add3A_105 : i32
      %dma_start3A_107 = arith.constant 0 : i32
      %dma_start3A_108 = tpu.memref_slice %arg8[%add3A_106, %dma_start3A_107] : memref<64x128xi32, #tpu.memory_space<vmem>> -> memref<1x128xi32, #tpu.memory_space<vmem>>
      %dma_start3A_109 = tpu.memref_squeeze %dma_start3A_108 : memref<1x128xi32, #tpu.memory_space<vmem>> -> memref<128xi32, #tpu.memory_space<vmem>>
      %dma_start3A_110 = arith.constant 0 : i32
      %dma_start3A_111 = arith.constant 0 : i32
      %dma_start3A_112 = tpu.memref_slice %arg2[%dma_start3A_110, %dma_start3A_111] : memref<20000x128xf32, #tpu.memory_space<hbm>> -> memref<20000x128xf32, #tpu.memory_space<hbm>>
      tpu.enqueue_indirect_dma source(%dma_start3A_112 : memref<20000x128xf32, #tpu.memory_space<hbm>>) target(%arg11 : memref<128x128xf32, #tpu.memory_space<vmem>>) offsets(%dma_start3A_109 : memref<128xi32, #tpu.memory_space<vmem>>) semaphore(%arg13 : memref<!tpu.dma_semaphore, #tpu.memory_space<semaphore_mem>>)
      %dma_wait3A_113 = arith.constant 0 : i32
      %dma_wait3A_114 = tpu.memref_slice %arg8[%mul3A_104, %dma_wait3A_113] : memref<64x128xi32, #tpu.memory_space<vmem>> -> memref<1x128xi32, #tpu.memory_space<vmem>>
      %dma_wait3A_115 = tpu.memref_squeeze %dma_wait3A_114 : memref<1x128xi32, #tpu.memory_space<vmem>> -> memref<128xi32, #tpu.memory_space<vmem>>
      %dma_wait3A_116 = arith.constant 0 : i32
      %dma_wait3A_117 = arith.constant 0 : i32
      %dma_wait3A_118 = tpu.memref_slice %arg2[%dma_wait3A_116, %dma_wait3A_117] : memref<20000x128xf32, #tpu.memory_space<hbm>> -> memref<20000x128xf32, #tpu.memory_space<hbm>>
      tpu.wait_indirect_dma semaphore(%arg12 : memref<!tpu.dma_semaphore, #tpu.memory_space<semaphore_mem>>) src(%dma_wait3A_118 : memref<20000x128xf32, #tpu.memory_space<hbm>>) dst(%arg10 : memref<128x128xf32, #tpu.memory_space<vmem>>)
      "tpu.region"() ({
        %run_scoped3A = tpu.sem_alloc : memref<!tpu.dma_semaphore, #tpu.memory_space<semaphore_mem>>
        %dma_start3A_133 = arith.constant 0 : i32
        %dma_start3A_134 = tpu.memref_slice %arg9[%mul3A_104, %dma_start3A_133] : memref<56x128xi32, #tpu.memory_space<vmem>> -> memref<1x128xi32, #tpu.memory_space<vmem>>
        %dma_start3A_135 = tpu.memref_squeeze %dma_start3A_134 : memref<1x128xi32, #tpu.memory_space<vmem>> -> memref<128xi32, #tpu.memory_space<vmem>>
        %dma_start3A_136 = arith.constant 0 : i32
        %dma_start3A_137 = arith.constant 0 : i32
        %dma_start3A_138 = tpu.memref_slice %arg7[%dma_start3A_136, %dma_start3A_137] : memref<10112x128xf32, #tpu.memory_space<vmem_shared>> -> memref<10112x128xf32, #tpu.memory_space<vmem_shared>>
        tpu.enqueue_indirect_dma source(%arg10 : memref<128x128xf32, #tpu.memory_space<vmem>>) target(%dma_start3A_138 : memref<10112x128xf32, #tpu.memory_space<vmem_shared>>) offsets(%dma_start3A_135 : memref<128xi32, #tpu.memory_space<vmem>>) semaphore(%run_scoped3A : memref<!tpu.dma_semaphore, #tpu.memory_space<semaphore_mem>>) {add = true}
        %dma_wait3A_139 = arith.constant 0 : i32
        %dma_wait3A_140 = tpu.memref_slice %arg9[%mul3A_104, %dma_wait3A_139] : memref<56x128xi32, #tpu.memory_space<vmem>> -> memref<1x128xi32, #tpu.memory_space<vmem>>
        %dma_wait3A_141 = tpu.memref_squeeze %dma_wait3A_140 : memref<1x128xi32, #tpu.memory_space<vmem>> -> memref<128xi32, #tpu.memory_space<vmem>>
        %dma_wait3A_142 = arith.constant 0 : i32
        %dma_wait3A_143 = arith.constant 0 : i32
        %dma_wait3A_144 = tpu.memref_slice %arg7[%dma_wait3A_142, %dma_wait3A_143] : memref<10112x128xf32, #tpu.memory_space<vmem_shared>> -> memref<10112x128xf32, #tpu.memory_space<vmem_shared>>
        tpu.wait_indirect_dma semaphore(%run_scoped3A : memref<!tpu.dma_semaphore, #tpu.memory_space<semaphore_mem>>) src(%arg10 : memref<128x128xf32, #tpu.memory_space<vmem>>) dst(%dma_wait3A_144 : memref<10112x128xf32, #tpu.memory_space<vmem_shared>>)
        tpu.yield
      }) : () -> ()
      %add3A_119 = arith.constant 2 : i32
      %add3A_120 = arith.addi %mul3A_104, %add3A_119 : i32
      %dma_start3A_121 = arith.constant 0 : i32
      %dma_start3A_122 = tpu.memref_slice %arg8[%add3A_120, %dma_start3A_121] : memref<64x128xi32, #tpu.memory_space<vmem>> -> memref<1x128xi32, #tpu.memory_space<vmem>>
      %dma_start3A_123 = tpu.memref_squeeze %dma_start3A_122 : memref<1x128xi32, #tpu.memory_space<vmem>> -> memref<128xi32, #tpu.memory_space<vmem>>
      %dma_start3A_124 = arith.constant 0 : i32
      %dma_start3A_125 = arith.constant 0 : i32
      %dma_start3A_126 = tpu.memref_slice %arg2[%dma_start3A_124, %dma_start3A_125] : memref<20000x128xf32, #tpu.memory_space<hbm>> -> memref<20000x128xf32, #tpu.memory_space<hbm>>
      tpu.enqueue_indirect_dma source(%dma_start3A_126 : memref<20000x128xf32, #tpu.memory_space<hbm>>) target(%arg10 : memref<128x128xf32, #tpu.memory_space<vmem>>) offsets(%dma_start3A_123 : memref<128xi32, #tpu.memory_space<vmem>>) semaphore(%arg12 : memref<!tpu.dma_semaphore, #tpu.memory_space<semaphore_mem>>)
      %dma_wait3A_127 = arith.constant 0 : i32
      %dma_wait3A_128 = tpu.memref_slice %arg8[%add3A_106, %dma_wait3A_127] : memref<64x128xi32, #tpu.memory_space<vmem>> -> memref<1x128xi32, #tpu.memory_space<vmem>>
      %dma_wait3A_129 = tpu.memref_squeeze %dma_wait3A_128 : memref<1x128xi32, #tpu.memory_space<vmem>> -> memref<128xi32, #tpu.memory_space<vmem>>
      %dma_wait3A_130 = arith.constant 0 : i32
      %dma_wait3A_131 = arith.constant 0 : i32
      %dma_wait3A_132 = tpu.memref_slice %arg2[%dma_wait3A_130, %dma_wait3A_131] : memref<20000x128xf32, #tpu.memory_space<hbm>> -> memref<20000x128xf32, #tpu.memory_space<hbm>>
      tpu.wait_indirect_dma semaphore(%arg13 : memref<!tpu.dma_semaphore, #tpu.memory_space<semaphore_mem>>) src(%dma_wait3A_132 : memref<20000x128xf32, #tpu.memory_space<hbm>>) dst(%arg11 : memref<128x128xf32, #tpu.memory_space<vmem>>)
      "tpu.region"() ({
        %run_scoped3A = tpu.sem_alloc : memref<!tpu.dma_semaphore, #tpu.memory_space<semaphore_mem>>
        %dma_start3A_133 = arith.constant 0 : i32
        %dma_start3A_134 = tpu.memref_slice %arg9[%add3A_106, %dma_start3A_133] : memref<56x128xi32, #tpu.memory_space<vmem>> -> memref<1x128xi32, #tpu.memory_space<vmem>>
        %dma_start3A_135 = tpu.memref_squeeze %dma_start3A_134 : memref<1x128xi32, #tpu.memory_space<vmem>> -> memref<128xi32, #tpu.memory_space<vmem>>
        %dma_start3A_136 = arith.constant 0 : i32
        %dma_start3A_137 = arith.constant 0 : i32
        %dma_start3A_138 = tpu.memref_slice %arg7[%dma_start3A_136, %dma_start3A_137] : memref<10112x128xf32, #tpu.memory_space<vmem_shared>> -> memref<10112x128xf32, #tpu.memory_space<vmem_shared>>
        tpu.enqueue_indirect_dma source(%arg11 : memref<128x128xf32, #tpu.memory_space<vmem>>) target(%dma_start3A_138 : memref<10112x128xf32, #tpu.memory_space<vmem_shared>>) offsets(%dma_start3A_135 : memref<128xi32, #tpu.memory_space<vmem>>) semaphore(%run_scoped3A : memref<!tpu.dma_semaphore, #tpu.memory_space<semaphore_mem>>) {add = true}
        %dma_wait3A_139 = arith.constant 0 : i32
        %dma_wait3A_140 = tpu.memref_slice %arg9[%add3A_106, %dma_wait3A_139] : memref<56x128xi32, #tpu.memory_space<vmem>> -> memref<1x128xi32, #tpu.memory_space<vmem>>
        %dma_wait3A_141 = tpu.memref_squeeze %dma_wait3A_140 : memref<1x128xi32, #tpu.memory_space<vmem>> -> memref<128xi32, #tpu.memory_space<vmem>>
        %dma_wait3A_142 = arith.constant 0 : i32
        %dma_wait3A_143 = arith.constant 0 : i32
        %dma_wait3A_144 = tpu.memref_slice %arg7[%dma_wait3A_142, %dma_wait3A_143] : memref<10112x128xf32, #tpu.memory_space<vmem_shared>> -> memref<10112x128xf32, #tpu.memory_space<vmem_shared>>
        tpu.wait_indirect_dma semaphore(%run_scoped3A : memref<!tpu.dma_semaphore, #tpu.memory_space<semaphore_mem>>) src(%arg11 : memref<128x128xf32, #tpu.memory_space<vmem>>) dst(%dma_wait3A_144 : memref<10112x128xf32, #tpu.memory_space<vmem_shared>>)
        tpu.yield
      }) : () -> ()
    }
    %dma_wait3A_91 = arith.constant 0 : i32
    %dma_wait3A_92 = tpu.memref_slice %arg8[%select_n3A, %dma_wait3A_91] : memref<64x128xi32, #tpu.memory_space<vmem>> -> memref<1x128xi32, #tpu.memory_space<vmem>>
    %dma_wait3A_93 = tpu.memref_squeeze %dma_wait3A_92 : memref<1x128xi32, #tpu.memory_space<vmem>> -> memref<128xi32, #tpu.memory_space<vmem>>
    %dma_wait3A_94 = arith.constant 0 : i32
    %dma_wait3A_95 = arith.constant 0 : i32
    %dma_wait3A_96 = tpu.memref_slice %arg2[%dma_wait3A_94, %dma_wait3A_95] : memref<20000x128xf32, #tpu.memory_space<hbm>> -> memref<20000x128xf32, #tpu.memory_space<hbm>>
    tpu.wait_indirect_dma semaphore(%arg12 : memref<!tpu.dma_semaphore, #tpu.memory_space<semaphore_mem>>) src(%dma_wait3A_96 : memref<20000x128xf32, #tpu.memory_space<hbm>>) dst(%arg10 : memref<128x128xf32, #tpu.memory_space<vmem>>)
    %barrier3A_97 = arith.constant 0 : index
    tpu.barrier barrier_id(%barrier3A_97)
    %mul3A_98 = arith.constant 632 : i32
    %mul3A_99 = arith.muli %arg1, %mul3A_98 : i32
    %mul3A_100 = arith.constant 632 : i32
    %mul3A_101 = arith.muli %arg1, %mul3A_100 : i32
    "tpu.region"() ({
      %run_scoped3A = tpu.sem_alloc : memref<!tpu.dma_semaphore, #tpu.memory_space<semaphore_mem>>
      %dma_start3A_102 = arith.constant 0 : i32
      %dma_start3A_103 = arith.constant 0 : i32
      %dma_start3A_104 = tpu.memref_slice %arg6[%arg0, %dma_start3A_102, %dma_start3A_103] : memref<2x10112x128xf32, #tpu.memory_space<hbm>> -> memref<1x10112x128xf32, #tpu.memory_space<hbm>>
      %dma_start3A_105 = tpu.memref_squeeze %dma_start3A_104 : memref<1x10112x128xf32, #tpu.memory_space<hbm>> -> memref<10112x128xf32, #tpu.memory_space<hbm>>
      %dma_start3A_106 = arith.constant 0 : i32
      %dma_start3A_107 = tpu.memref_slice %dma_start3A_105[%mul3A_101, %dma_start3A_106] : memref<10112x128xf32, #tpu.memory_space<hbm>> -> memref<632x128xf32, #tpu.memory_space<hbm>>
      %dma_start3A_108 = arith.constant 0 : i32
      %dma_start3A_109 = tpu.memref_slice %arg7[%mul3A_99, %dma_start3A_108] : memref<10112x128xf32, #tpu.memory_space<vmem_shared>> -> memref<632x128xf32, #tpu.memory_space<vmem_shared>>
      tpu.enqueue_dma source(%dma_start3A_109 : memref<632x128xf32, #tpu.memory_space<vmem_shared>>) target(%dma_start3A_107 : memref<632x128xf32, #tpu.memory_space<hbm>>) target_semaphore(%run_scoped3A : memref<!tpu.dma_semaphore, #tpu.memory_space<semaphore_mem>>)
      %dma_wait3A_110 = arith.constant 0 : i32
      %dma_wait3A_111 = arith.constant 0 : i32
      %dma_wait3A_112 = tpu.memref_slice %arg6[%arg0, %dma_wait3A_110, %dma_wait3A_111] : memref<2x10112x128xf32, #tpu.memory_space<hbm>> -> memref<1x10112x128xf32, #tpu.memory_space<hbm>>
      %dma_wait3A_113 = tpu.memref_squeeze %dma_wait3A_112 : memref<1x10112x128xf32, #tpu.memory_space<hbm>> -> memref<10112x128xf32, #tpu.memory_space<hbm>>
      %dma_wait3A_114 = arith.constant 0 : i32
      %dma_wait3A_115 = tpu.memref_slice %dma_wait3A_113[%mul3A_101, %dma_wait3A_114] : memref<10112x128xf32, #tpu.memory_space<hbm>> -> memref<632x128xf32, #tpu.memory_space<hbm>>
      %dma_wait3A_116 = arith.constant 0 : i32
      %dma_wait3A_117 = tpu.memref_slice %arg7[%mul3A_99, %dma_wait3A_116] : memref<10112x128xf32, #tpu.memory_space<vmem_shared>> -> memref<632x128xf32, #tpu.memory_space<vmem_shared>>
      tpu.wait_dma2 semaphore(%run_scoped3A : memref<!tpu.dma_semaphore, #tpu.memory_space<semaphore_mem>>) src(%dma_wait3A_117 : memref<632x128xf32, #tpu.memory_space<vmem_shared>>) dst(%dma_wait3A_115 : memref<632x128xf32, #tpu.memory_space<hbm>>)
      tpu.yield
    }) : () -> ()
    return
  }
}

module attributes {stable_mosaic.version = 14 : i64} {
  func.func @_bn_mm_body(%arg0: memref<10000x128xf32, #tpu.memory_space<vmem>>, %arg1: memref<128x128xf32, #tpu.memory_space<vmem>>, %arg2: memref<1x128xf32, #tpu.memory_space<vmem>>, %arg3: memref<1x128xf32, #tpu.memory_space<vmem>>, %arg4: memref<10000x128xf32, #tpu.memory_space<vmem>>) attributes {dimension_semantics = [], scalar_prefetch = 0 : i64, scratch_operands = 0 : i64, tpu.core_type = #tpu.core_type<tc>} {
    %get3A = arith.constant 0 : index
    %get3A_0 = arith.constant 0 : index
    %get3A_1 = vector.load %arg0[%get3A, %get3A_0] : memref<10000x128xf32, #tpu.memory_space<vmem>>, vector<10000x128xf32>
    %reduce_sum3A = arith.constant dense<0.000000e+00> : vector<128xf32>
    %reduce_sum3A_2 = vector.multi_reduction <add>, %get3A_1, %reduce_sum3A [0] : vector<10000x128xf32> to vector<128xf32>
    %broadcast_in_dim3A = vector.shape_cast %reduce_sum3A_2 : vector<128xf32> to vector<1x128xf32>
    %div3A = arith.constant 1.000000e+04 : f32
    %div3A_3 = vector.broadcast %div3A : f32 to vector<1x128xf32>
    %div3A_4 = arith.divf %broadcast_in_dim3A, %div3A_3 : vector<1x128xf32>
    %sub3A = vector.broadcast %div3A_4 : vector<1x128xf32> to vector<10000x128xf32>
    %sub3A_5 = arith.subf %get3A_1, %sub3A : vector<10000x128xf32>
    %mul3A = arith.mulf %sub3A_5, %sub3A_5 : vector<10000x128xf32>
    %reduce_sum3A_6 = arith.constant dense<0.000000e+00> : vector<128xf32>
    %reduce_sum3A_7 = vector.multi_reduction <add>, %mul3A, %reduce_sum3A_6 [0] : vector<10000x128xf32> to vector<128xf32>
    %broadcast_in_dim3A_8 = vector.shape_cast %reduce_sum3A_7 : vector<128xf32> to vector<1x128xf32>
    %div3A_9 = arith.constant 1.000000e+04 : f32
    %div3A_10 = vector.broadcast %div3A_9 : f32 to vector<1x128xf32>
    %div3A_11 = arith.divf %broadcast_in_dim3A_8, %div3A_10 : vector<1x128xf32>
    %add3A = arith.constant 9.99999974E-6 : f32
    %add3A_12 = vector.broadcast %add3A : f32 to vector<1x128xf32>
    %add3A_13 = arith.addf %div3A_11, %add3A_12 : vector<1x128xf32>
    %rsqrt3A = math.rsqrt %add3A_13 : vector<1x128xf32>
    %mul3A_14 = vector.broadcast %rsqrt3A : vector<1x128xf32> to vector<10000x128xf32>
    %mul3A_15 = arith.mulf %sub3A_5, %mul3A_14 : vector<10000x128xf32>
    %get3A_16 = arith.constant 0 : index
    %get3A_17 = arith.constant 0 : index
    %get3A_18 = vector.load %arg2[%get3A_16, %get3A_17] : memref<1x128xf32, #tpu.memory_space<vmem>>, vector<1x128xf32>
    %mul3A_19 = vector.broadcast %get3A_18 : vector<1x128xf32> to vector<10000x128xf32>
    %mul3A_20 = arith.mulf %mul3A_15, %mul3A_19 : vector<10000x128xf32>
    %get3A_21 = arith.constant 0 : index
    %get3A_22 = arith.constant 0 : index
    %get3A_23 = vector.load %arg3[%get3A_21, %get3A_22] : memref<1x128xf32, #tpu.memory_space<vmem>>, vector<1x128xf32>
    %add3A_24 = vector.broadcast %get3A_23 : vector<1x128xf32> to vector<10000x128xf32>
    %add3A_25 = arith.addf %mul3A_20, %add3A_24 : vector<10000x128xf32>
    %max3A = arith.constant 0.000000e+00 : f32
    %max3A_26 = vector.broadcast %max3A : f32 to vector<10000x128xf32>
    %max3A_27 = arith.maximumf %add3A_25, %max3A_26 : vector<10000x128xf32>
    %get3A_28 = arith.constant 0 : index
    %get3A_29 = arith.constant 0 : index
    %get3A_30 = vector.load %arg1[%get3A_28, %get3A_29] : memref<128x128xf32, #tpu.memory_space<vmem>>, vector<128x128xf32>
    %dot_general3A = arith.constant dense<0.000000e+00> : vector<10000x128xf32>
    %dot_general3A_31 = tpu.matmul %max3A_27, %get3A_30, %dot_general3A {dimension_numbers = #tpu.dot_dimension_numbers<[1], [0], [0], [1], [0, 0, 1, 1], [], []>, transpose_lhs_hint = false} : vector<10000x128xf32>, vector<128x128xf32>, vector<10000x128xf32> -> vector<10000x128xf32>
    %swap3A = arith.constant 0 : index
    %swap3A_32 = arith.constant 0 : index
    %swap3A_33 = vector.load %arg4[%swap3A, %swap3A_32] : memref<10000x128xf32, #tpu.memory_space<vmem>>, vector<10000x128xf32>
    tpu.vector_store %arg4[%swap3A, %swap3A_32], %dot_general3A_31 {strides = array<i32>} : memref<10000x128xf32, #tpu.memory_space<vmem>>, vector<10000x128xf32>,
    return
  }
}

module attributes {stable_mosaic.version = 14 : i64} {
  func.func @_combine_body(%arg0: memref<10000x128xf32, #tpu.memory_space<vmem>>, %arg1: memref<1x128xf32, #tpu.memory_space<vmem>>, %arg2: memref<10000x128xf32, #tpu.memory_space<vmem>>, %arg3: memref<10000x128xf32, #tpu.memory_space<vmem>>, %arg4: memref<10000x128xf32, #tpu.memory_space<vmem>>) attributes {dimension_semantics = [], scalar_prefetch = 0 : i64, scratch_operands = 0 : i64, tpu.core_type = #tpu.core_type<tc>} {
    %get3A = arith.constant 0 : index
    %get3A_0 = arith.constant 0 : index
    %get3A_1 = vector.load %arg0[%get3A, %get3A_0] : memref<10000x128xf32, #tpu.memory_space<vmem>>, vector<10000x128xf32>
    %get3A_2 = arith.constant 0 : index
    %get3A_3 = arith.constant 0 : index
    %get3A_4 = vector.load %arg1[%get3A_2, %get3A_3] : memref<1x128xf32, #tpu.memory_space<vmem>>, vector<1x128xf32>
    %add3A = vector.broadcast %get3A_4 : vector<1x128xf32> to vector<10000x128xf32>
    %add3A_5 = arith.addf %get3A_1, %add3A : vector<10000x128xf32>
    %get3A_6 = arith.constant 0 : index
    %get3A_7 = arith.constant 0 : index
    %get3A_8 = vector.load %arg2[%get3A_6, %get3A_7] : memref<10000x128xf32, #tpu.memory_space<vmem>>, vector<10000x128xf32>
    %add3A_9 = arith.addf %add3A_5, %get3A_8 : vector<10000x128xf32>
    %get3A_10 = arith.constant 0 : index
    %get3A_11 = arith.constant 0 : index
    %get3A_12 = vector.load %arg3[%get3A_10, %get3A_11] : memref<10000x128xf32, #tpu.memory_space<vmem>>, vector<10000x128xf32>
    %add3A_13 = arith.addf %add3A_9, %get3A_12 : vector<10000x128xf32>
    %swap3A = arith.constant 0 : index
    %swap3A_14 = arith.constant 0 : index
    %swap3A_15 = vector.load %arg4[%swap3A, %swap3A_14] : memref<10000x128xf32, #tpu.memory_space<vmem>>, vector<10000x128xf32>
    tpu.vector_store %arg4[%swap3A, %swap3A_14], %add3A_13 {strides = array<i32>} : memref<10000x128xf32, #tpu.memory_space<vmem>>, vector<10000x128xf32>,
    return
  }
}

</mosaic_0001>

<sc_bundles>
// kernel: kernel.5.cloned.1.call-start
scs
__scs_entry_jumppad:
0x0: {  	(pc) =	sbr.rel $0x88, $3  }
0x1: {  	(tag) =	ssettag $0x0;
	lr =	simm.s32 $0x1  }
0x2: {  	[smem:$0x3F9B] =	sst lr;
	_ =	strace $0xD0000000  }
0x3: {  	_ = 	snop  }
0x4: {  	_ = 	snop  }
0x5: {  	_ = 	snop  }
0x6: {  	_ = 	snop  }
0x7: {  	_ = 	snop  }
__scs_overlays_trampoline_lowered:
0x8: {  	[smem:$0x3FAA] =	sst s0  }
0x9: {  	[smem:$0x3FAB] =	sst s1  }
0xa: {  	[smem:$0x3FAC] =	sst s2  }
0xb: {  	[smem:$0x3FAD] =	sst s3  }
0xc: {  	[smem:$0x3FAE] =	sst s4  }
0xd: {  	[smem:$0x3FAF] =	sst s5  }
0xe: {  	[smem:$0x3FB0] =	sst s6  }
0xf: {  	[smem:$0x3FB1] =	sst s7  }
0x10: {  	[smem:$0x3FB2] =	sst s8  }
0x11: {  	[smem:$0x3FB3] =	sst s9;
	s0 =	simm.s32 @!p0 $0x0  }
0x12: {  	s1 =	sld [smem:$0x3F99];
	s0 =	simm.s32 @p0 $0x1  }
0x13: {  	[smem:$0x3FB4] =	sst s0;
	s0 =	simm.s32 @!p1 $0x0  }
0x14: {  	s2 =	sld [smem:$0x3F98];
	s0 =	simm.s32 @p1 $0x1  }
0x15: {  	[smem:$0x3FB5] =	sst s0;
	s0 =	simm.s32 @!p2 $0x0  }
0x16: {  	s3 =	sld [smem:$0x3FDB];
	s0 =	simm.s32 @p2 $0x1  }
0x17: {  	s4 =	simm.s32 $0x1BF5;
	[smem:$0x3FB7] =	sst s0  }
0x18: {  	s0 =	sld [smem:$0x3F9A];
	_ =	swait.ge [sflag:s4], $0x0  }
0x19: {  	s7 =	sld [smem:$0x3F9B]  }
0x1a: {  	s8 =	sadd.s32 $0xFFFFE003, lr  }
0x1b: {  	s9 =	sadd.s32 $0xFFFFFEF7, lr;
	s5 =	simm.s32 $0xFFFFFFFF;
	p2 =	slt.u32 s8, $0xFFFFF086  }
0x1c: {  	p1 =	slt.u32 s9, $0xF7A;
	s5 =	simm.s32 @!p2 $0x0  }
0x1d: {  	s5 =	simm.s32 @p1 $0x1;
	p0 =	seq.s32 s7, s2  }
0x1e: {  	s7 =	smul.u32 @!p0 $0xF7A, s2;
	p2 =	seq.s32 @!p0 s5, $0x0  }
0x1f: {  	s9 =	smul.u32 $0xF7A, s1;
	s8 =	simm.s32 @!p0 $0x1BF5;
	p2 =	por !p2, p0  }
0x20: {  	[sflag:s8] =	ssyncset.s32 @!p0 $0xFFFFF086;
	s6 =	sadd.s32 @!p0 s3, s7;
	s7 =	simm.s32 @!p0 $0x108  }
0x21: {  	s3 =	sadd.s32 s3, s9;
	s6 =	sadd.s32 @!p0 $0x88, s6;
	s7 =	simm.s32 @p2 $0x1082  }
0x22: {  	[simem:s7], [sflag:s8] =	dma.local @!p0 [hbm:s6], $0xF7A  }
0x23: {  	s9 =	sor.u32 $0xD0000000, s2;
	s6 =	simm.s32 $0x108;
	_ =	swait.ge @!p0 [sflag:s8], $0x0  }
0x24: {  	s3 =	sadd.s32 $0x88, s3;
	s6 =	simm.s32 @!p1 $0x1082;
	[sflag:s4] =	ssyncset.s32 $0xFFFFF086  }
0x25: {  	[simem:s6], [sflag:s4] =	dma.local [hbm:s3], $0xF7A  }
0x26: {  	[smem:$0x3F9B] =	sst s1;
	(tag) =	ssettag s2;
	_ =	strace s9  }
0x27: {  	s1 =	sld [smem:$0x3FAB]  }
0x28: {  	s2 =	sld [smem:$0x3FAC]  }
0x29: {  	s4 =	sld [smem:$0x3FAE]  }
0x2a: {  	p0 =	seq.s32 s5, $0x0;
	s5 =	sld [smem:$0x3FAF]  }
0x2b: {  	s6 =	sld [smem:$0x3FB0]  }
0x2c: {  	s7 =	sld [smem:$0x3FB1]  }
0x2d: {  	s3 =	simm.s32 $0x108;
	s8 =	sld [smem:$0x3FB2]  }
0x2e: {  	s3 =	simm.s32 @!p0 $0x1082;
	s9 =	sld [smem:$0x3FB3]  }
0x2f: {  	lr =	sadd.s32 s0, s3;
	s0 =	sld [smem:$0x3FAA]  }
0x30: {  	s3 =	sld [smem:$0x3FAD]  }
0x31: {  	[smem:$0x3FB6] =	sst s10  }
0x32: {  	s10 =	sld [smem:$0x3FB4];
	_ =	sdelay $0x3  }
0x33: {  	p0 =	seq.s32 s10, $0x1;
	s10 =	sld [smem:$0x3FB6];
	_ =	sdelay $0x3  }
0x34: {  	[smem:$0x3FB6] =	sst s10  }
0x35: {  	s10 =	sld [smem:$0x3FB5];
	_ =	sdelay $0x3  }
0x36: {  	p1 =	seq.s32 s10, $0x1;
	s10 =	sld [smem:$0x3FB6];
	_ =	sdelay $0x3  }
0x37: {  	[smem:$0x3FB6] =	sst s10  }
0x38: {  	s10 =	sld [smem:$0x3FB7]  }
0x39: {  	_ = 	snop;
	(pc) =	sbr.ind lr, $3  }
0x3a: {  	_ = 	snop  }
0x3b: {  	_ = 	snop  }
0x3c: {  	p2 =	seq.s32 s10, $0x1;
	s10 =	sld [smem:$0x3FB6]  }
0x3d: {  	_ =	shalt  }
0x3e: {  	_ =	shalt  }
0x3f: {  	_ =	shalt  }
0x40: {  	_ =	shalt  }
0x41: {  	_ =	shalt  }
0x42: {  	_ =	shalt  }
0x43: {  	_ =	shalt  }
0x44: {  	_ =	shalt  }
0x45: {  	_ =	shalt  }
0x46: {  	_ =	shalt  }
0x47: {  	_ =	shalt  }
0x48: {  	_ =	shalt  }
0x49: {  	_ =	shalt  }
0x4a: {  	_ =	shalt  }
0x4b: {  	_ =	shalt  }
0x4c: {  	_ =	shalt  }
0x4d: {  	_ =	shalt  }
0x4e: {  	_ =	shalt  }
0x4f: {  	_ =	shalt  }
0x50: {  	_ =	shalt  }
0x51: {  	_ =	shalt  }
0x52: {  	_ =	shalt  }
0x53: {  	_ =	shalt  }
0x54: {  	_ =	shalt  }
0x55: {  	_ =	shalt  }
0x56: {  	_ =	shalt  }
0x57: {  	_ =	shalt  }
0x58: {  	_ =	shalt  }
0x59: {  	_ =	shalt  }
0x5a: {  	_ =	shalt  }
0x5b: {  	_ =	shalt  }
0x5c: {  	_ =	shalt  }
0x5d: {  	_ =	shalt  }
0x5e: {  	_ =	shalt  }
0x5f: {  	_ =	shalt  }
0x60: {  	_ =	shalt  }
0x61: {  	_ =	shalt  }
0x62: {  	_ =	shalt  }
0x63: {  	_ =	shalt  }
0x64: {  	_ =	shalt  }
0x65: {  	_ =	shalt  }
0x66: {  	_ =	shalt  }
0x67: {  	_ =	shalt  }
0x68: {  	_ =	shalt  }
0x69: {  	_ =	shalt  }
0x6a: {  	_ =	shalt  }
0x6b: {  	_ =	shalt  }
0x6c: {  	_ =	shalt  }
0x6d: {  	_ =	shalt  }
0x6e: {  	_ =	shalt  }
0x6f: {  	_ =	shalt  }
0x70: {  	_ =	shalt  }
0x71: {  	_ =	shalt  }
0x72: {  	_ =	shalt  }
0x73: {  	_ =	shalt  }
0x74: {  	_ =	shalt  }
0x75: {  	_ =	shalt  }
0x76: {  	_ =	shalt  }
0x77: {  	_ =	shalt  }
0x78: {  	_ =	shalt  }
0x79: {  	_ =	shalt  }
0x7a: {  	_ =	shalt  }
0x7b: {  	_ =	shalt  }
0x7c: {  	_ =	shalt  }
0x7d: {  	_ =	shalt  }
0x7e: {  	_ =	shalt  }
0x7f: {  	_ =	shalt  }
0x80: {  	_ =	shalt  }
0x81: {  	_ =	shalt  }
0x82: {  	_ =	shalt  }
0x83: {  	_ =	shalt  }
0x84: {  	_ =	shalt  }
0x85: {  	_ =	shalt  }
0x86: {  	_ =	shalt  }
0x87: {  	_ =	shalt  }
.Lfunc_end0:
.L_simem_size_0:
called_computation_lowered:
.L_overlay_start_0:
0x88: {  	s2 =	sld [smem:$0x3FD9]  }
0x89: {  	s3 =	sld [smem:$0x3FFE];
	_ =	sdelay $0x1  }
0x8a: {  	s1 =	srdreg.scid  }
0x8b: {  	s0 =	sand.u32 $0x1, s1  }
0x8c: {  	s17 =	sshll.u32 s0, $0xA;
	s2 =	sadd.s32 s3, s2  }
0x8d: {  	s2 =	sadd.s32 s2, s17  }
0x8e: {  	[smem:$0x3FC2] =	sst s2  }
0x8f: {  	_ = 	snop  }
0x90: {  	s2 =	sld [smem:$0x3FD0];
	(tm) =	ssettm $0x1  }
0x91: {  	s18 =	sld [smem:$0x3FFB];
	_ =	sdelay $0x3  }
0x92: {  	_ =	strace s18  }
0x93: {  	s3 =	sld [smem:$0x3FFC];
	_ =	sdelay $0x3  }
0x94: {  	_ =	strace s3  }
0x95: {  	s3 =	sld [smem:$0x3FFD];
	_ =	sdelay $0x3  }
0x96: {  	_ =	strace s3  }
0x97: {  	_ =	strace $0x8FFFFFFF  }
0x98: {  	s19 =	sld [smem:$0x3FDB];
	_ =	sdelay $0x1  }
0x99: {  	s4 =	simm.s32 $_scs_section_size  }
0x9a: {  	s5 =	simm.s32 $_size__tile_overlayer_lowered;
	s6 =	simm.s32 $_tile_overlayer_lowered  }
0x9b: {  	s22 =	simm.s32 $0x1BFF;
	s21 =	sshll.u32 s6, $0x1;
	s3 =	sadd.s32 s4, s19  }
0x9c: {  	s7 =	simm.s32 $0x0;
	s20 =	sshll.u32 s5, $0x1;
	s5 =	sadd.s32 s21, s3  }
0x9d: {  	[timem:s7], [sflag:s22] =	dma.local [hbm:s5], s20  }
0x9e: {  	_ =	swait.ge [sflag:s22], s20  }
0x9f: {  	s4 =	ssub.s32 $0x0, s20;
	[sflag:s22] =	ssyncset.done $0x0  }
0xa0: {  	[sflag:s22] =	ssyncadd.s32 s4;
	_ =	sdelay $0x1  }
0xa1: {  	s23 =	simm.s32 $0x1B8B  }
0xa2: {  	_ =	swait.ge [sflag:s23], $0x1  }
0xa3: {  	[sflag:s23] =	ssyncset.done $0x0  }
0xa4: {  	s25 =	simm.s32 $0x1B8E;
	s24 =	sld [smem:$0x3FFE];
	[sflag:s23] =	ssyncadd.s32 $0xFFFFFFFF  }
0xa5: {  	s26 =	simm.s32 $execute0_lowered;
	[smem:$0x3FD2] =	sst s25  }
0xa6: {  	s5 =	sshll.u32 s26, $0x1;
	_ =	strace $0x80000046;
	[dreg:$0x1] =	wrdreg $0xFFFFFFFF  }
0xa7: {  	s28 =	simm.s32 $_size_execute0_lowered;
	s3 =	sadd.s32 s3, s5;
	[dreg:$0x0] =	wrdreg $0x0  }
0xa8: {  	s5 =	sshll.u32 s28, $0x1;
	[dreg:$0x2] =	wrdreg s3  }
0xa9: {  	[dreg:$0x3] =	wrdreg s5  }
0xaa: {  	[dreg:$0x4] =	wrdreg $0xC0  }
0xab: {  	_ =	task [dreg:s7], $0x5FFFF  }
0xac: {  	[dreg:$0x1] =	wrdreg $0xFFFFFFFF  }
0xad: {  	[dreg:$0x0] =	wrdreg $0x60  }
0xae: {  	[dreg:$0x2] =	wrdreg s24  }
0xaf: {  	[dreg:$0x3] =	wrdreg s2  }
0xb0: {  	[dreg:$0x4] =	wrdreg $0x0  }
0xb1: {  	[dreg:$0x5] =	wrdreg $0x9  }
0xb2: {  	_ =	task.clear_ibuf [dreg:s7], $0x6FFFF;
	_ =	strace $0x90000046  }
0xb3: {  	s29 =	simm.s32 $0x9;
	_ =	strace $0x80000048  }
0xb4: {  	_ =	swait.ge [sflag:s29], $0x1  }
0xb5: {  	[sflag:s29] =	ssyncadd.s32 $0xFFFFFFFF  }
0xb6: {  	_ =	strace $0x90000048  }
0xb7: {  	_ =	sfence  }
0xb8: {  	s30 =	sld [smem:$0x0];
	_ =	sdelay $0x2  }
0xb9: {  	s31 =	sshll.u32 s1, $0xD;
	s1 =	sshrl.u32 s1, $0x2  }
0xba: {  	s3 =	sand.u32 $0x4000, s31;
	s1 =	sadd.s32 s1, s30  }
0xbb: {  	s0 =	sor.u32 s3, s0;
	s1 =	sshll.u32 s1, $0x11  }
0xbc: {  	s0 =	sor.u32 s1, s0  }
0xbd: {  	s0 =	sadd.s32 $0x8F2B, s0  }
0xbe: {  	[sflag:s0] =	ssyncadd.remote.s32 $0x1  }
0xbf: {  	_ =	sfence.sel $0xFFFF  }
0xc0: {  	[dreg:$0x0] =	wrdreg $0xFFFFFFFF;
	(pc) =	sbr.abs _section_cstart, $3  }
0xc1: {  	[dreg:$0x1] =	wrdreg $0xFFFFFFFF  }
0xc2: {  	_ =	task.clear_ibuf [dreg:s7], $0x2FFFF;
	_ =	strace $0x9FFFFFFF  }
0xc3: {  	(tm) =	ssettm $0x7FFFFFFF  }
tec
execute0_lowered:
.L_overlay_start_1:
0x0: {  	(tag) =	ssettag $0x1  }
0x1: {  	s5 =	rddreg [dreg:$0x0]  }
0x2: {  	s0 =	srdreg.scid;
	s7 =	rddreg [dreg:$0x1]  }
0x3: {  	s2 =	rddreg [dreg:$0x2];
	s1 =	stileid.u32  }
0x4: {  	s3 =	simm.s32 $0x0;
	s16 =	simm.s32 $0x17800;
	s17 =	simm.s32 $0x1B800  }
0x5: {  	s18 =	simm.s32 $0x1;
	s6 =	sand.u32 $0x1, s0;
	s0 =	rddreg [dreg:$0x3]  }
0x6: {  	s19 =	simm.s32 $0x2;
	[smem:$0x7FF] =	sst s3;
	s20 =	smul.u32 $0x2780, s1  }
0x7: {  	s13 =	smul.u32 $0x4F000, s1;
	s31 =	sshll.u32 s1, $0x6;
	s4 =	sshll.u32 s6, $0x4  }
0x8: {  	_ =	strace $0x80000047;
	s9 =	smul.u32 $0x27800, s6;
	s10 =	ssub.s32 $0x2, s6  }
0x9: {  	p0 =	seq.s32 s6, $0x0;
	s6 =	sor.u32 $0x1C03, s31;
	s4 =	sor.u32 s1, s4  }
0xa: {  	s12 =	sshrl.u32 s10, $0x1;
	s14 =	sadd.s32 s20, s5;
	s30 =	sshrl.u32 s13, $0x2  }
0xb: {  	s8 =	smul.u32 $0x780, s4;
	s4 =	sadd.s32 $0x1400, s5;
	s15 =	sadd.s32 s9, s5  }
0xc: {  	s12 =	ssub.s32 s10, s12;
	s10 =	simm.s32 $0x38;
	s13 =	sadd.s32 s30, s2  }
0xd: {  	s10 =	simm.s32 @!p0 $0x18;
	s21 =	sadd.s32 $0x85E00, s15;
	s15 =	simm.s32 $0x80  }
0xe: {  	s11 =	sadd.s32 s8, s5;
	s5 =	sadd.s32 $0x5E600, s14;
	s7 =	sadd.s32 s7, s8  }
0xf: {  	s9 =	sshrl.u32 s10, $0x1;
	s10 =	sshll.u32 s10, $0x4;
	s14 =	simm.s32 $0x13C00  }
0x10: {  	s20 =	sadd.s32 s20, s21;
	s21 =	simm.s32 $0x0;
	s8 =	sadd.s32 $0x4F600, s11  }
0x11: {  	s11 =	smax.u32 s12, $0x1;
	s12 =	sshrl.u32 s13, $0x3;
	s13 =	simm.s32 $0x3  }
.LBB2_1:
0x12: {  	[spmem:s12], [sflag:s6] =	dma.local [hbm:s5], $0x2780  }
0x13: {  	_ =	swait.ge [sflag:s13], $0x2780  }
0x14: {  	[sflag:s13] =	ssyncset.done $0x0  }
0x15: {  	[sflag:s13] =	ssyncadd.s32 $0xFFFFD880  }
0x16: {  	[bflag:$0x0] =	sbarrier.arrive $0xFFFF  }
0x17: {  	[tilespmem:s14], [sflag:$0x3] =	stream.linear.gather [hbm4b:s7+s3], $0x2000, $0x38;
	[tilespmem:$0x1F800] =	vst v63  }
0x18: {  	_ =	swait.ge [sflag:s13], $0x2000  }
0x19: {  	[sflag:s13] =	ssyncset.done $0x0  }
0x1a: {  	s22 =	simm.s32 $0x15C00;
	p1 =	sne.s32 s9, $0x1;
	[sflag:s13] =	ssyncadd.s32 $0xFFFFE000  }
0x1b: {  	[tilespmem:s22], [sflag:$0x3] =	stream.linear.gather [hbm4b:s8+s3], $0x1C00, $0x38;
	[tilespmem:$0x1F800] =	vst v63  }
.Ltmp0:
0x1c: {  	_ = 	snop;
	(pc) =	sbr.rel @!p1 .LBB2_5-.Ltmp0, $4  }
0x1d: {  	s23 =	simm.s32 $0x13D00;
	s24 =	sadd.s32 $0xFFFFFFFF, s9;
	_ =	swait.ge [sflag:s13], $0x1C00  }
0x1e: {  	p0 =	por $0x0, $0x0;
	s25 =	simm.s32 $0x13D00;
	[sflag:s13] =	ssyncset.done $0x0  }
0x1f: {  	s26 =	simm.s32 $0x15C00;
	p2 =	por $0x0, $0x0;
	[sflag:s13] =	ssyncadd.s32 $0xFFFFE400  }
0x20: {  	[tilespmem:s16], [sflag:$0x1] =	stream.indirect.gather [hbm4b:s4+s15], $0x80, s14, s15, $0xb8;
	[tilespmem:$0x1F800] =	vst v63  }
0x21: {  	s25 =	simm.s32 $0x13C80  }
0x22: {  	[tilespmem:s17], [sflag:$0x2] =	stream.indirect.gather [hbm4b:s4+s15], $0x80, s25, s15, $0xb8;
	[tilespmem:$0x1F800] =	vst v63  }
0x23: {  	_ =	swait.ge [sflag:s18], $0x4000  }
0x24: {  	[sflag:s18] =	ssyncset.done $0x0  }
0x25: {  	[sflag:s18] =	ssyncadd.s32 $0xFFFFC000  }
0x26: {  	[spmem:s2] =	stream.indirect.scatter.add.f32 [tilespmem:s16], [sflag:$0x3], $0x80, s22, s15, $0xb8;
	[tilespmem:$0x1F800] =	vst v63  }
0x27: {  	_ =	swait.ge [sflag:s13], $0x4000  }
0x28: {  	[sflag:s13] =	ssyncset.done $0x0  }
0x29: {  	[sflag:s13] =	ssyncadd.s32 $0xFFFFC000  }
0x2a: {  	[tilespmem:s16], [sflag:$0x1] =	stream.indirect.gather [hbm4b:s4+s15], $0x80, s23, s15, $0xb8;
	[tilespmem:$0x1F800] =	vst v63  }
0x2b: {  	p3 =	sne.s32 s24, $0x1;
	_ =	swait.ge [sflag:s19], $0x4000  }
.Ltmp1:
0x2c: {  	[sflag:s19] =	ssyncset.done $0x0;
	(pc) =	sbr.rel @!p3 .LBB2_3-.Ltmp1, $4  }
0x2d: {  	s31 =	simm.s32 $0x15C80;
	[sflag:s19] =	ssyncadd.s32 $0xFFFFC000  }
0x2e: {  	[spmem:s2] =	stream.indirect.scatter.add.f32 [tilespmem:s17], [sflag:$0x3], $0x80, s31, s15, $0xb8;
	[tilespmem:$0x1F800] =	vst v63  }
0x2f: {  	s28 =	sadd.s32 $0xFFFFFFFF, s24;
	p2 =	por $0x1, $0x1;
	_ =	swait.ge [sflag:s13], $0x4000  }
0x30: {  	s26 =	simm.s32 $0x15C00;
	s25 =	simm.s32 $0x13E00;
	[sflag:s13] =	ssyncset.done $0x0  }
.LBB2_4:
0x31: {  	s29 =	sadd.s32 $0xFFFFFF80, s25;
	[sflag:s13] =	ssyncadd.s32 $0xFFFFC000;
	s26 =	sadd.s32 $0x100, s26  }
0x32: {  	[tilespmem:s17], [sflag:$0x2] =	stream.indirect.gather [hbm4b:s4+s15], $0x80, s29, s15, $0xb8;
	[tilespmem:$0x1F800] =	vst v63  }
0x33: {  	p3 =	sne.s32 s28, $0x1;
	s28 =	sadd.s32 $0xFFFFFFFF, s28;
	_ =	swait.ge [sflag:s18], $0x4000  }
0x34: {  	[sflag:s18] =	ssyncset.done $0x0  }
0x35: {  	[sflag:s18] =	ssyncadd.s32 $0xFFFFC000  }
0x36: {  	[spmem:s2] =	stream.indirect.scatter.add.f32 [tilespmem:s16], [sflag:$0x3], $0x80, s26, s15, $0xb8;
	[tilespmem:$0x1F800] =	vst v63  }
0x37: {  	_ =	swait.ge [sflag:s13], $0x4000  }
0x38: {  	[sflag:s13] =	ssyncset.done $0x0  }
0x39: {  	[sflag:s13] =	ssyncadd.s32 $0xFFFFC000  }
0x3a: {  	[tilespmem:s16], [sflag:$0x1] =	stream.indirect.gather [hbm4b:s4+s15], $0x80, s25, s15, $0xb8;
	[tilespmem:$0x1F800] =	vst v63  }
0x3b: {  	_ =	swait.ge [sflag:s19], $0x4000  }
.Ltmp2:
0x3c: {  	[sflag:s19] =	ssyncset.done $0x0;
	(pc) =	sbr.rel @p3 .LBB2_4-.Ltmp2, $4  }
0x3d: {  	s29 =	sadd.s32 $0x80, s26;
	[sflag:s19] =	ssyncadd.s32 $0xFFFFC000  }
0x3e: {  	[spmem:s2] =	stream.indirect.scatter.add.f32 [tilespmem:s17], [sflag:$0x3], $0x80, s29, s15, $0xb8;
	[tilespmem:$0x1F800] =	vst v63  }
0x3f: {  	_ =	swait.ge [sflag:s13], $0x4000  }
0x40: {  	s25 =	sadd.s32 $0x100, s25;
	[sflag:s13] =	ssyncset.done $0x0  }
.LBB2_5:
0x41: {  	s28 =	sadd.s32 $0xFFFFFF80, s25;
	[sflag:s13] =	ssyncadd.s32 @p2 $0xFFFFC000  }
0x42: {  	[tilespmem:s17], [sflag:$0x2] =	stream.indirect.gather [hbm4b:s4+s15], $0x80, s28, s15, $0xb8;
	[tilespmem:$0x1F800] =	vst v63  }
0x43: {  	_ =	swait.ge [sflag:s18], $0x4000  }
0x44: {  	s26 =	sadd.s32 @p2 $0x100, s26;
	s28 =	simm.s32 $0x15C00;
	[sflag:s18] =	ssyncset.done $0x0  }
0x45: {  	s28 =	smov.u32 @p2 s26;
	[sflag:s18] =	ssyncadd.s32 $0xFFFFC000  }
0x46: {  	[spmem:s2] =	stream.indirect.scatter.add.f32 [tilespmem:s16], [sflag:$0x3], $0x80, s28, s15, $0xb8;
	[tilespmem:$0x1F800] =	vst v63  }
0x47: {  	_ =	swait.ge [sflag:s13], $0x4000  }
0x48: {  	[sflag:s13] =	ssyncset.done $0x0  }
0x49: {  	[sflag:s13] =	ssyncadd.s32 $0xFFFFC000  }
0x4a: {  	[tilespmem:s16], [sflag:$0x1] =	stream.indirect.gather [hbm4b:s4+s15], $0x80, s25, s15, $0xb8;
	[tilespmem:$0x1F800] =	vst v63  }
0x4b: {  	_ =	swait.ge [sflag:s19], $0x4000  }
0x4c: {  	[sflag:s19] =	ssyncset.done $0x0  }
0x4d: {  	s29 =	sadd.s32 $0x80, s28;
	[sflag:s19] =	ssyncadd.s32 $0xFFFFC000  }
0x4e: {  	[spmem:s2] =	stream.indirect.scatter.add.f32 [tilespmem:s17], [sflag:$0x3], $0x80, s29, s15, $0xb8;
	[tilespmem:$0x1F800] =	vst v63  }
0x4f: {  	_ =	swait.ge [sflag:s13], $0x4000  }
0x50: {  	[sflag:s13] =	ssyncset.done $0x0  }
0x51: {  	[sflag:s13] =	ssyncadd.s32 $0xFFFFC000  }
0x52: {  	_ =	swait.ge [sflag:s18], $0x4000  }
0x53: {  	[sflag:s18] =	ssyncset.done $0x0  }
0x54: {  	s30 =	sadd.s32 s10, s7;
	[sflag:s18] =	ssyncadd.s32 $0xFFFFC000  }
0x55: {  	[tilespmem:s14], [sflag:$0x3] =	stream.linear.gather [hbm4b:s30+s3], $0x2000, $0x38;
	[tilespmem:$0x1F800] =	vst v63  }
0x56: {  	_ =	swait.ge [sflag:s13], $0x2000  }
0x57: {  	[sflag:s13] =	ssyncset.done $0x0  }
0x58: {  	s31 =	sadd.s32 s10, s8;
	[sflag:s13] =	ssyncadd.s32 $0xFFFFE000  }
0x59: {  	[tilespmem:s22], [sflag:$0x3] =	stream.linear.gather [hbm4b:s31+s3], $0x1C00, $0x38;
	[tilespmem:$0x1F800] =	vst v63  }
.Ltmp3:
0x5a: {  	_ = 	snop;
	(pc) =	sbr.rel @!p1 .LBB2_6-.Ltmp3, $4  }
0x5b: {  	_ =	swait.ge [sflag:s13], $0x1C00  }
0x5c: {  	[sflag:s13] =	ssyncset.done $0x0  }
0x5d: {  	[sflag:s13] =	ssyncadd.s32 $0xFFFFE400  }
0x5e: {  	[tilespmem:s16], [sflag:$0x1] =	stream.indirect.gather [hbm4b:s4+s15], $0x80, s14, s15, $0xb8;
	[tilespmem:$0x1F800] =	vst v63  }
0x5f: {  	s25 =	simm.s32 $0x13C80  }
0x60: {  	[tilespmem:s17], [sflag:$0x2] =	stream.indirect.gather [hbm4b:s4+s15], $0x80, s25, s15, $0xb8;
	[tilespmem:$0x1F800] =	vst v63  }
0x61: {  	_ =	swait.ge [sflag:s18], $0x4000  }
0x62: {  	[sflag:s18] =	ssyncset.done $0x0  }
0x63: {  	[sflag:s18] =	ssyncadd.s32 $0xFFFFC000  }
0x64: {  	[spmem:s2] =	stream.indirect.scatter.add.f32 [tilespmem:s16], [sflag:$0x3], $0x80, s22, s15, $0xb8;
	[tilespmem:$0x1F800] =	vst v63  }
0x65: {  	_ =	swait.ge [sflag:s13], $0x4000  }
0x66: {  	[sflag:s13] =	ssyncset.done $0x0  }
0x67: {  	[sflag:s13] =	ssyncadd.s32 $0xFFFFC000  }
0x68: {  	[tilespmem:s16], [sflag:$0x1] =	stream.indirect.gather [hbm4b:s4+s15], $0x80, s23, s15, $0xb8;
	[tilespmem:$0x1F800] =	vst v63  }
0x69: {  	p1 =	sne.s32 s24, $0x1;
	_ =	swait.ge [sflag:s19], $0x4000  }
.Ltmp4:
0x6a: {  	[sflag:s19] =	ssyncset.done $0x0;
	(pc) =	sbr.rel @!p1 .LBB2_8-.Ltmp4, $4  }
0x6b: {  	s31 =	simm.s32 $0x15C80;
	[sflag:s19] =	ssyncadd.s32 $0xFFFFC000  }
0x6c: {  	[spmem:s2] =	stream.indirect.scatter.add.f32 [tilespmem:s17], [sflag:$0x3], $0x80, s31, s15, $0xb8;
	[tilespmem:$0x1F800] =	vst v63  }
0x6d: {  	p0 =	por $0x1, $0x1;
	s25 =	sadd.s32 $0xFFFFFFFF, s24;
	_ =	swait.ge [sflag:s13], $0x4000  }
0x6e: {  	s24 =	simm.s32 $0x15C00;
	s23 =	simm.s32 $0x13E00;
	[sflag:s13] =	ssyncset.done $0x0  }
.LBB2_9:
0x6f: {  	s26 =	sadd.s32 $0xFFFFFF80, s23;
	[sflag:s13] =	ssyncadd.s32 $0xFFFFC000;
	s24 =	sadd.s32 $0x100, s24  }
0x70: {  	[tilespmem:s17], [sflag:$0x2] =	stream.indirect.gather [hbm4b:s4+s15], $0x80, s26, s15, $0xb8;
	[tilespmem:$0x1F800] =	vst v63  }
0x71: {  	p1 =	sne.s32 s25, $0x1;
	s25 =	sadd.s32 $0xFFFFFFFF, s25;
	_ =	swait.ge [sflag:s18], $0x4000  }
0x72: {  	[sflag:s18] =	ssyncset.done $0x0  }
0x73: {  	[sflag:s18] =	ssyncadd.s32 $0xFFFFC000  }
0x74: {  	[spmem:s2] =	stream.indirect.scatter.add.f32 [tilespmem:s16], [sflag:$0x3], $0x80, s24, s15, $0xb8;
	[tilespmem:$0x1F800] =	vst v63  }
0x75: {  	_ =	swait.ge [sflag:s13], $0x4000  }
0x76: {  	[sflag:s13] =	ssyncset.done $0x0  }
0x77: {  	[sflag:s13] =	ssyncadd.s32 $0xFFFFC000  }
0x78: {  	[tilespmem:s16], [sflag:$0x1] =	stream.indirect.gather [hbm4b:s4+s15], $0x80, s23, s15, $0xb8;
	[tilespmem:$0x1F800] =	vst v63  }
0x79: {  	_ =	swait.ge [sflag:s19], $0x4000  }
.Ltmp5:
0x7a: {  	[sflag:s19] =	ssyncset.done $0x0;
	(pc) =	sbr.rel @p1 .LBB2_9-.Ltmp5, $4  }
0x7b: {  	s26 =	sadd.s32 $0x80, s24;
	[sflag:s19] =	ssyncadd.s32 $0xFFFFC000  }
0x7c: {  	[spmem:s2] =	stream.indirect.scatter.add.f32 [tilespmem:s17], [sflag:$0x3], $0x80, s26, s15, $0xb8;
	[tilespmem:$0x1F800] =	vst v63  }
0x7d: {  	_ =	swait.ge [sflag:s13], $0x4000  }
0x7e: {  	s23 =	sadd.s32 $0x100, s23;
	[sflag:s13] =	ssyncset.done $0x0  }
.LBB2_10:
0x7f: {  	s25 =	sadd.s32 $0xFFFFFF80, s23;
	[sflag:s13] =	ssyncadd.s32 @p0 $0xFFFFC000  }
0x80: {  	[tilespmem:s17], [sflag:$0x2] =	stream.indirect.gather [hbm4b:s4+s15], $0x80, s25, s15, $0xb8;
	[tilespmem:$0x1F800] =	vst v63  }
0x81: {  	_ =	swait.ge [sflag:s18], $0x4000  }
0x82: {  	s24 =	sadd.s32 @p0 $0x100, s24;
	[sflag:s18] =	ssyncset.done $0x0  }
0x83: {  	s22 =	smov.u32 @p0 s24;
	[sflag:s18] =	ssyncadd.s32 $0xFFFFC000  }
0x84: {  	[spmem:s2] =	stream.indirect.scatter.add.f32 [tilespmem:s16], [sflag:$0x3], $0x80, s22, s15, $0xb8;
	[tilespmem:$0x1F800] =	vst v63  }
0x85: {  	_ =	swait.ge [sflag:s13], $0x4000  }
0x86: {  	[sflag:s13] =	ssyncset.done $0x0  }
0x87: {  	[sflag:s13] =	ssyncadd.s32 $0xFFFFC000  }
0x88: {  	[tilespmem:s16], [sflag:$0x1] =	stream.indirect.gather [hbm4b:s4+s15], $0x80, s23, s15, $0xb8;
	[tilespmem:$0x1F800] =	vst v63  }
0x89: {  	_ =	swait.ge [sflag:s19], $0x4000  }
0x8a: {  	[sflag:s19] =	ssyncset.done $0x0  }
0x8b: {  	s22 =	sadd.s32 $0x80, s22;
	[sflag:s19] =	ssyncadd.s32 $0xFFFFC000  }
0x8c: {  	[spmem:s2] =	stream.indirect.scatter.add.f32 [tilespmem:s17], [sflag:$0x3], $0x80, s22, s15, $0xb8;
	[tilespmem:$0x1F800] =	vst v63  }
0x8d: {  	_ =	swait.ge [sflag:s13], $0x4000  }
0x8e: {  	[sflag:s13] =	ssyncset.done $0x0  }
0x8f: {  	[sflag:s13] =	ssyncadd.s32 $0xFFFFC000  }
0x90: {  	_ =	swait.ge [sflag:s18], $0x4000  }
0x91: {  	[sflag:s18] =	ssyncset.done $0x0  }
0x92: {  	s21 =	sadd.s32 $0x1, s21;
	[sflag:s18] =	ssyncadd.s32 $0xFFFFC000  }
0x93: {  	p0 =	sne.s32 s21, s11;
	[bflag:$0x0] =	sbarrier.arrive $0xFFFF  }
0x94: {  	[hbm:s20], [sflag:s6] =	dma.local [spmem:s12], $0x2780  }
.Ltmp6:
0x95: {  	_ = 	snop;
	(pc) =	sbr.rel @p0 .LBB2_1-.Ltmp6, $4  }
.Ltmp7:
0x96: {  	_ = 	snop;
	(pc) =	sbr.rel @!p0 .LBB2_11-.Ltmp7, $4  }
0x97: {  	_ =	swait.ge [sflag:s13], $0x2780  }
0x98: {  	[sflag:s13] =	ssyncset.done $0x0  }
0x99: {  	[sflag:s13] =	ssyncadd.s32 $0xFFFFD880  }
0x9a: {  	_ = 	snop  }
.LBB2_6:
.Ltmp8:
0x9b: {  	(pc) =	sbr.rel .LBB2_10-.Ltmp8, $2  }
0x9c: {  	_ =	sdelay $0x2  }
0x9d: {  	s24 =	simm.s32 $0x15C00  }
.LBB2_3:
.Ltmp9:
0x9e: {  	(pc) =	sbr.rel .LBB2_5-.Ltmp9, $2  }
0x9f: {  	_ =	sdelay $0x2  }
0xa0: {  	s26 =	simm.s32 $0x15C00  }
.LBB2_8:
.Ltmp10:
0xa1: {  	(pc) =	sbr.rel .LBB2_10-.Ltmp10, $2  }
0xa2: {  	_ =	sdelay $0x2  }
0xa3: {  	s24 =	simm.s32 $0x15C00  }
.LBB2_11:
0xa4: {  	_ =	sfence.sel $0x180000  }
0xa5: {  	[bflag:$0x0] =	sbarrier.arrive $0xFFFF  }
0xa6: {  	p0 =	sne.s32 s1, $0x0;
	_ =	strace $0x90000047  }
0xa7: {  	s0 =	sadd.s32 @!p0 $0x100000, s0;
	[bflag:$0x2] =	sbarrier.arrive $0xFFFF  }
0xa8: {  	[sflag:s0] =	ssyncadd.tile.s32 @!p0 $0x1;
	_ =	shalt  }
.Lfunc_end2:
_tile_overlayer_lowered:
.L_overlay_start_2:
0xa9: {  	(tag) =	ssettag $0x2  }
0xaa: {  	s0 =	rddreg [dreg:$0x0];
	s2 =	stileid.u32  }
0xab: {  	s1 =	rddreg [dreg:$0x1];
	p0 =	sne.s32 s2, $0x0  }
0xac: {  	s3 =	rddreg [dreg:$0x2];
	[bflag:$0x3] =	sbarrier.arrive $0xFFFF;
	s2 =	simm.s32 @!p0 $0x1C03  }
0xad: {  	[timem:s3], [sflag:s2] =	dma.local @!p0 [hbm:s0], s1  }
0xae: {  	s0 =	simm.s32 @!p0 $0x3  }
0xaf: {  	_ =	swait.ge @!p0 [sflag:s0], s1  }
0xb0: {  	s1 =	ssub.s32 @!p0 $0x0, s1;
	[sflag:s0] =	ssyncset.done @!p0 $0x0  }
0xb1: {  	[sflag:s0] =	ssyncadd.s32 @!p0 s1  }
0xb2: {  	[bflag:$0x3] =	sbarrier.arrive $0xFFFF  }
0xb3: {  	_ =	shalt  }

</sc_bundles>
